<compile_context>
chip_gen: v7x
topology: tpu7x:2x2x1
jax: 0.10.2.dev20260603
libtpu: 0.0.44.dev20260713+nightly
codegen_flags: <defaults>
</compile_context>

<pallas_src>
import functools

import jax
import jax.numpy as jnp
from jax import lax
from jax.experimental import pallas as pl
from jax.experimental.pallas import tpu as pltpu
from jax.experimental.pallas import tpu_sc as plsc

_BETA = 0.01
_EPS = 1e-6
_S, _B, _J, _X = 2, 8, 17, 64
_N = _X * _X * _X
_ROWS = _S * _B * _J
_RPB = 8
_NBLK = _ROWS // _RPB
_BLK_PER_STAGE = (_B * _J) // _RPB
_LANES = 128
_TROWS = _ROWS * (_N // _LANES)
_NWORKERS = 32
_PER_W = 16
_PAD = _NWORKERS * _PER_W


def _sc_gather_body(table_hbm, rows_hbm, out_hbm, rowv, rowsv, sem):
    wid = lax.axis_index("s") * 2 + lax.axis_index("c")
    base = wid * _PER_W
    pltpu.sync_copy(rows_hbm.at[pl.ds(base, _PER_W)], rowv)
    pltpu.async_copy(table_hbm.at[rowv], rowsv, sem).wait()
    pltpu.sync_copy(rowsv, out_hbm.at[pl.ds(base, _PER_W)])


@functools.lru_cache(maxsize=1)
def _make_sc_gather():
    return functools.partial(
        pl.kernel,
        mesh=plsc.VectorSubcoreMesh(core_axis_name="c", subcore_axis_name="s"),
        out_type=jax.ShapeDtypeStruct((_PAD, _LANES), jnp.float32),
        scratch_types=[
            pltpu.VMEM((_PER_W,), jnp.int32),
            pltpu.VMEM((_PER_W, _LANES), jnp.float32),
            pltpu.SemaphoreType.DMA,
        ],
    )(_sc_gather_body)


_CH = _N // _LANES
_NBUF = 4


def _tc_loss_body(lane_ref, grow_ref, x_hbm, out_ref, buf, sems):
    i = pl.program_id(0)

    def chunk(tt, c):
        slot = lax.rem(tt, _NBUF)
        return pltpu.make_async_copy(
            x_hbm.at[pl.ds(tt * _RPB + c, 1)],
            buf.at[slot, pl.ds(c, 1)],
            sems.at[slot, c])

    @pl.when(i == 0)
    def _prologue():
        out_ref[0] = 0.0
        out_ref[1] = 0.0
        for k in range(_NBUF):
            for c in range(_RPB):
                chunk(jnp.int32(k), c).start()

    for c in range(_RPB):
        chunk(i, c).wait()
    x = buf[lax.rem(i, _NBUF)]
    m = jnp.max(x, axis=(1, 2))
    s = jnp.sum(jnp.exp(x - m[:, None, None]), axis=(1, 2))
    lse = m + jnp.log(s)

    @pl.when(i + _NBUF < _NBLK)
    def _issue_next():
        for c in range(_RPB):
            chunk(i + _NBUF, c).start()

    rows = grow_ref[0]
    lane = lane_ref[0, 0, :]
    col = lax.broadcasted_iota(jnp.int32, (_RPB, _LANES), 1)
    g = jnp.sum(jnp.where(col == lane[:, None], rows, 0.0), axis=1)
    term = -jnp.log(jnp.exp(g - lse) + _EPS)
    partial = jnp.sum(term)
    in_stage0 = i < _BLK_PER_STAGE
    out_ref[0] += jnp.where(in_stage0, partial, 0.0)
    out_ref[1] += jnp.where(in_stage0, 0.0, partial)


def _tc_loss(lane3, grows3, x3):
    return pl.pallas_call(
        _tc_loss_body,
        grid=(_NBLK,),
        in_specs=[
            pl.BlockSpec((1, 1, _RPB), lambda i: (i, 0, 0)),
            pl.BlockSpec((1, _RPB, _LANES), lambda i: (i, 0, 0)),
            pl.BlockSpec(memory_space=pl.ANY),
        ],
        out_specs=pl.BlockSpec(memory_space=pltpu.SMEM),
        out_shape=jax.ShapeDtypeStruct((2,), jnp.float32),
        scratch_shapes=[
            pltpu.VMEM((_NBUF, _RPB, _CH, _LANES), jnp.float32),
            pltpu.SemaphoreType.DMA((_NBUF, _RPB)),
        ],
    )(lane3, grows3, x3)


def kernel(volumes_batch_pred_cat, label, vmax_cat, vmin_cat):
    vol = volumes_batch_pred_cat
    vmin = vmin_cat.transpose(1, 0, 2)
    vmax = vmax_cat.transpose(1, 0, 2)
    mean = (vmax + vmin) * 0.5
    scale = (vmax - vmin) * 0.5
    gt = (label[None] - mean[:, :, None, :]) / scale[:, :, None, :]
    idx = jnp.floor((gt + 1.0) * 0.5 * (_X - 1)).astype(jnp.int32)
    imax = jnp.max(idx, axis=(1, 2, 3))
    imin = jnp.min(idx, axis=(1, 2, 3))
    in_bounds = (imax < _X) & (imax > 0) & (imin < _X) & (imin > 0)

    idx_c = jnp.clip(idx, 0, _X - 1)
    fi = (idx_c[..., 0] * (_X * _X) + idx_c[..., 1] * _X
          + idx_c[..., 2]).reshape(_ROWS).astype(jnp.int32)
    r = jnp.arange(_ROWS, dtype=jnp.int32)
    trow = r * (_N // _LANES) + fi // _LANES
    lane = fi % _LANES
    trow_p = jnp.zeros((_PAD,), jnp.int32).at[:_ROWS].set(trow)

    table = vol.reshape(_TROWS, _LANES)
    grows3 = _make_sc_gather()(table, trow_p)[:_ROWS].reshape(
        _NBLK, _RPB, _LANES)

    x3 = vol.reshape(_ROWS, _CH, _LANES)
    lane3 = lane.reshape(_NBLK, 1, _RPB)
    sums = _tc_loss(lane3, grows3, x3)

    loss = _BETA * sums / (_B * _J)
    total = (jnp.where(in_bounds[0], loss[0], 0.0)
             + jnp.where(in_bounds[1], loss[1], 0.0))
    return total.astype(jnp.float32)

# --- scband reference (transcript-rebuilt; emitter-appended) ---
"""Pipeline reference for scband-volumetric-celoss-multi-stage-32177894981936 (READ-ONLY COPY).

The authoritative reference and input builder live on the scoring server;
editing this copy changes nothing except your own understanding.
"""

import jax, jax.numpy as jnp
import numpy as np

BETA = 0.01

def setup_inputs(seed: int = 0) -> dict:
    key = jax.random.key(seed)
    volumes = jax.random.normal(jax.random.fold_in(key, 0), (2, 8, 17, 64, 64, 64), dtype=jnp.float32)
    label = jnp.ones((8, 17, 3), dtype=jnp.float32)
    vmax_cat = jnp.ones((8, 2, 3), dtype=jnp.float32)
    vmin_cat = jnp.zeros((8, 2, 3), dtype=jnp.float32)
    return {"volumes_batch_pred_cat": volumes, "label": label, "vmax_cat": vmax_cat, "vmin_cat": vmin_cat}


def reference(volumes_batch_pred_cat, label, vmax_cat, vmin_cat):
    stage = volumes_batch_pred_cat.shape[0]
    total_loss = jnp.float32(0.0)
    for stage_idx in range(stage):
        vol = volumes_batch_pred_cat[stage_idx]
        batch_size, predict_joint, x_size, y_size, z_size = vol.shape
        flat = vol.reshape(batch_size, predict_joint, -1)
        p = jax.nn.softmax(flat, axis=2)
        p = p.reshape(batch_size, predict_joint, x_size, y_size, z_size)
        vmin = vmin_cat[:, stage_idx:stage_idx + 1, :]
        vmax = vmax_cat[:, stage_idx:stage_idx + 1, :]
        mean_label = (vmax + vmin) / 2.0   # [B,1,3]
        scale_label = (vmax - vmin) / 2.0  # [B,1,3]
        GT_label = (label - mean_label) / scale_label  # broadcast over joints, same as per-coord torch assignment
        idx = jnp.floor((GT_label + 1.0) / 2.0 * (x_size - 1)).astype(jnp.int32)
        in_bounds = (idx.max() < x_size) & (idx.max() > 0) & (idx.min() < x_size) & (idx.min() > 0)
        b_idx = jnp.arange(batch_size)[:, None]
        j_idx = jnp.arange(predict_joint)[None, :]
        vals = p[b_idx, j_idx, idx[:, :, 0], idx[:, :, 1], idx[:, :, 2]]
        loss = BETA * (-jnp.log(vals + 1e-06)).sum()
        n_losses = batch_size * predict_joint
        total_loss = total_loss + jnp.where(in_bounds, loss / n_losses, 0.0 * p.sum())
    return total_loss

if __name__ == "__main__":
    import jax
    _d = setup_inputs()
    print(jax.jit(kernel)(*tuple(_d.values())))

</pallas_src>

<mosaic_0001>
#map = affine_map<(d0, d1) -> (0, 0)>
#map1 = affine_map<(d0, d1) -> (0)>
module attributes {stable_mosaic.version = 14 : i64} {
  func.func @_sc_gather_body(%arg0: i32, %arg1: i32, %arg2: memref<557056x128xf32, #tpu.memory_space<hbm>>, %arg3: memref<512xi32, #tpu.memory_space<hbm>>, %arg4: memref<512x128xf32, #tpu.memory_space<hbm>>, %arg5: memref<16xi32, #tpu.memory_space<vmem>>, %arg6: memref<16x128xf32, #tpu.memory_space<vmem>>, %arg7: memref<!tpu.dma_semaphore, #tpu.memory_space<semaphore_mem>>) attributes {dimension_semantics = [#tpu.dimension_semantics<core_parallel>, #tpu.dimension_semantics<subcore_parallel>], iteration_bounds = array<i64: 2, 16>, scalar_prefetch = 0 : i64, scratch_operands = 3 : i64, tpu.core_type = #tpu.core_type<sc_vector_subcore>, window_params = [{transform_indices = #map}, {transform_indices = #map1}, {transform_indices = #map}]} {
    %mul3A = arith.constant 2 : i32
    %mul3A_0 = arith.muli %arg1, %mul3A : i32
    %add3A = arith.addi %mul3A_0, %arg0 : i32
    %mul3A_1 = arith.constant 16 : i32
    %mul3A_2 = arith.muli %add3A, %mul3A_1 : i32
    "tpu.region"() ({
      %run_scoped3A = tpu.sem_alloc : memref<!tpu.dma_semaphore, #tpu.memory_space<semaphore_mem>>
      %dma_start3A_7 = tpu.memref_slice %arg3[%mul3A_2] : memref<512xi32, #tpu.memory_space<hbm>> -> memref<16xi32, #tpu.memory_space<hbm>>
      %dma_start3A_8 = tpu.memref_slice %arg3[%mul3A_2] : memref<512xi32, #tpu.memory_space<hbm>> -> memref<16xi32, #tpu.memory_space<hbm>>
      tpu.enqueue_dma source(%dma_start3A_8 : memref<16xi32, #tpu.memory_space<hbm>>) target(%arg5 : memref<16xi32, #tpu.memory_space<vmem>>) target_semaphore(%run_scoped3A : memref<!tpu.dma_semaphore, #tpu.memory_space<semaphore_mem>>)
      %dma_wait3A_9 = tpu.memref_slice %arg3[%mul3A_2] : memref<512xi32, #tpu.memory_space<hbm>> -> memref<16xi32, #tpu.memory_space<hbm>>
      %dma_wait3A_10 = tpu.memref_slice %arg3[%mul3A_2] : memref<512xi32, #tpu.memory_space<hbm>> -> memref<16xi32, #tpu.memory_space<hbm>>
      tpu.wait_dma2 semaphore(%run_scoped3A : memref<!tpu.dma_semaphore, #tpu.memory_space<semaphore_mem>>) src(%dma_wait3A_10 : memref<16xi32, #tpu.memory_space<hbm>>) dst(%arg5 : memref<16xi32, #tpu.memory_space<vmem>>)
      tpu.yield
    }) : () -> ()
    %dma_start3A = arith.constant 0 : i32
    %dma_start3A_3 = arith.constant 0 : i32
    %dma_start3A_4 = tpu.memref_slice %arg2[%dma_start3A, %dma_start3A_3] : memref<557056x128xf32, #tpu.memory_space<hbm>> -> memref<557056x128xf32, #tpu.memory_space<hbm>>
    tpu.enqueue_indirect_dma source(%dma_start3A_4 : memref<557056x128xf32, #tpu.memory_space<hbm>>) target(%arg6 : memref<16x128xf32, #tpu.memory_space<vmem>>) offsets(%arg5 : memref<16xi32, #tpu.memory_space<vmem>>) semaphore(%arg7 : memref<!tpu.dma_semaphore, #tpu.memory_space<semaphore_mem>>)
    %dma_wait3A = arith.constant 0 : i32
    %dma_wait3A_5 = arith.constant 0 : i32
    %dma_wait3A_6 = tpu.memref_slice %arg2[%dma_wait3A, %dma_wait3A_5] : memref<557056x128xf32, #tpu.memory_space<hbm>> -> memref<557056x128xf32, #tpu.memory_space<hbm>>
    tpu.wait_indirect_dma semaphore(%arg7 : memref<!tpu.dma_semaphore, #tpu.memory_space<semaphore_mem>>) src(%dma_wait3A_6 : memref<557056x128xf32, #tpu.memory_space<hbm>>) dst(%arg6 : memref<16x128xf32, #tpu.memory_space<vmem>>)
    "tpu.region"() ({
      %run_scoped3A = tpu.sem_alloc : memref<!tpu.dma_semaphore, #tpu.memory_space<semaphore_mem>>
      %dma_start3A_7 = arith.constant 0 : i32
      %dma_start3A_8 = tpu.memref_slice %arg4[%mul3A_2, %dma_start3A_7] : memref<512x128xf32, #tpu.memory_space<hbm>> -> memref<16x128xf32, #tpu.memory_space<hbm>>
      %dma_start3A_9 = arith.constant 0 : i32
      %dma_start3A_10 = tpu.memref_slice %arg4[%mul3A_2, %dma_start3A_9] : memref<512x128xf32, #tpu.memory_space<hbm>> -> memref<16x128xf32, #tpu.memory_space<hbm>>
      tpu.enqueue_dma source(%arg6 : memref<16x128xf32, #tpu.memory_space<vmem>>) target(%dma_start3A_10 : memref<16x128xf32, #tpu.memory_space<hbm>>) target_semaphore(%run_scoped3A : memref<!tpu.dma_semaphore, #tpu.memory_space<semaphore_mem>>)
      %dma_wait3A_11 = arith.constant 0 : i32
      %dma_wait3A_12 = tpu.memref_slice %arg4[%mul3A_2, %dma_wait3A_11] : memref<512x128xf32, #tpu.memory_space<hbm>> -> memref<16x128xf32, #tpu.memory_space<hbm>>
      %dma_wait3A_13 = arith.constant 0 : i32
      %dma_wait3A_14 = tpu.memref_slice %arg4[%mul3A_2, %dma_wait3A_13] : memref<512x128xf32, #tpu.memory_space<hbm>> -> memref<16x128xf32, #tpu.memory_space<hbm>>
      tpu.wait_dma2 semaphore(%run_scoped3A : memref<!tpu.dma_semaphore, #tpu.memory_space<semaphore_mem>>) src(%arg6 : memref<16x128xf32, #tpu.memory_space<vmem>>) dst(%dma_wait3A_14 : memref<16x128xf32, #tpu.memory_space<hbm>>)
      tpu.yield
    }) : () -> ()
    return
  }
}

module attributes {stable_mosaic.version = 14 : i64} {
  func.func @_tc_loss_body(%arg0: i32, %arg1: memref<1x1x8xi32, #tpu.memory_space<vmem>>, %arg2: memref<1x8x128xf32, #tpu.memory_space<vmem>>, %arg3: memref<272x2048x128xf32, #tpu.memory_space<any>>, %arg4: memref<2xf32, #tpu.memory_space<smem>>, %arg5: memref<4x8x2048x128xf32, #tpu.memory_space<vmem>>, %arg6: memref<4x8x!tpu.dma_semaphore, #tpu.memory_space<semaphore_mem>>) attributes {dimension_semantics = [#tpu.dimension_semantics<arbitrary>], iteration_bounds = array<i64: 34>, scalar_prefetch = 0 : i64, scratch_operands = 2 : i64, tpu.core_type = #tpu.core_type<tc>, window_params = [{transform_indices = @transform_0, window_bounds = array<i64: 1, 1, 8>}, {transform_indices = @transform_1, window_bounds = array<i64: 1, 8, 128>}, {}, {transform_indices = @transform_3, window_bounds = array<i64: 2>}]} {
    %eq3A = arith.constant 0 : i32
    %eq3A_0 = arith.cmpi eq, %arg0, %eq3A : i32
    %convert_element_type3A = arith.extui %eq3A_0 : i1 to i32
    %cond3A = arith.constant 0 : i32
    %cond3A_1 = arith.cmpi ne, %convert_element_type3A, %cond3A : i32
    scf.if %cond3A_1 {
      %swap3A_195 = arith.constant 0.000000e+00 : f32
      %swap3A_196 = arith.constant 0 : index
      %swap3A_197 = memref.load %arg4[%swap3A_196] : memref<2xf32, #tpu.memory_space<smem>>
      memref.store %swap3A_195, %arg4[%swap3A_196] : memref<2xf32, #tpu.memory_space<smem>>
      %swap3A_198 = arith.constant 0.000000e+00 : f32
      %swap3A_199 = arith.constant 1 : index
      %swap3A_200 = memref.load %arg4[%swap3A_199] : memref<2xf32, #tpu.memory_space<smem>>
      memref.store %swap3A_198, %arg4[%swap3A_199] : memref<2xf32, #tpu.memory_space<smem>>
      %rem3A_201 = arith.constant 0 : i32
      %rem3A_202 = arith.constant 4 : i32
      %rem3A_203 = arith.remsi %rem3A_201, %rem3A_202 : i32
      %mul3A_204 = arith.constant 0 : i32
      %mul3A_205 = arith.constant 8 : i32
      %mul3A_206 = arith.muli %mul3A_204, %mul3A_205 : i32
      %add3A_207 = arith.constant 0 : i32
      %add3A_208 = arith.addi %mul3A_206, %add3A_207 : i32
      %dma_start3A = arith.constant 0 : i32
      %dma_start3A_209 = tpu.memref_slice %arg6[%rem3A_203, %dma_start3A] : memref<4x8x!tpu.dma_semaphore, #tpu.memory_space<semaphore_mem>> -> memref<1x1x!tpu.dma_semaphore, #tpu.memory_space<semaphore_mem>>
      %dma_start3A_210 = tpu.memref_squeeze %dma_start3A_209 : memref<1x1x!tpu.dma_semaphore, #tpu.memory_space<semaphore_mem>> -> memref<!tpu.dma_semaphore, #tpu.memory_space<semaphore_mem>>
      %dma_start3A_211 = arith.constant 0 : i32
      %dma_start3A_212 = arith.constant 0 : i32
      %dma_start3A_213 = arith.constant 0 : i32
      %dma_start3A_214 = tpu.memref_slice %arg5[%rem3A_203, %dma_start3A_211, %dma_start3A_212, %dma_start3A_213] : memref<4x8x2048x128xf32, #tpu.memory_space<vmem>> -> memref<1x1x2048x128xf32, #tpu.memory_space<vmem>>
      %dma_start3A_215 = tpu.memref_squeeze %dma_start3A_214 : memref<1x1x2048x128xf32, #tpu.memory_space<vmem>> -> memref<1x2048x128xf32, #tpu.memory_space<vmem>>
      %dma_start3A_216 = arith.constant 0 : i32
      %dma_start3A_217 = arith.constant 0 : i32
      %dma_start3A_218 = tpu.memref_slice %arg3[%add3A_208, %dma_start3A_216, %dma_start3A_217] : memref<272x2048x128xf32, #tpu.memory_space<any>> -> memref<1x2048x128xf32, #tpu.memory_space<any>>
      tpu.enqueue_dma source(%dma_start3A_218 : memref<1x2048x128xf32, #tpu.memory_space<any>>) target(%dma_start3A_215 : memref<1x2048x128xf32, #tpu.memory_space<vmem>>) target_semaphore(%dma_start3A_210 : memref<!tpu.dma_semaphore, #tpu.memory_space<semaphore_mem>>)
      %rem3A_219 = arith.constant 0 : i32
      %rem3A_220 = arith.constant 4 : i32
      %rem3A_221 = arith.remsi %rem3A_219, %rem3A_220 : i32
      %mul3A_222 = arith.constant 0 : i32
      %mul3A_223 = arith.constant 8 : i32
      %mul3A_224 = arith.muli %mul3A_222, %mul3A_223 : i32
      %add3A_225 = arith.constant 1 : i32
      %add3A_226 = arith.addi %mul3A_224, %add3A_225 : i32
      %dma_start3A_227 = arith.constant 1 : i32
      %dma_start3A_228 = tpu.memref_slice %arg6[%rem3A_221, %dma_start3A_227] : memref<4x8x!tpu.dma_semaphore, #tpu.memory_space<semaphore_mem>> -> memref<1x1x!tpu.dma_semaphore, #tpu.memory_space<semaphore_mem>>
      %dma_start3A_229 = tpu.memref_squeeze %dma_start3A_228 : memref<1x1x!tpu.dma_semaphore, #tpu.memory_space<semaphore_mem>> -> memref<!tpu.dma_semaphore, #tpu.memory_space<semaphore_mem>>
      %dma_start3A_230 = arith.constant 1 : i32
      %dma_start3A_231 = arith.constant 0 : i32
      %dma_start3A_232 = arith.constant 0 : i32
      %dma_start3A_233 = tpu.memref_slice %arg5[%rem3A_221, %dma_start3A_230, %dma_start3A_231, %dma_start3A_232] : memref<4x8x2048x128xf32, #tpu.memory_space<vmem>> -> memref<1x1x2048x128xf32, #tpu.memory_space<vmem>>
      %dma_start3A_234 = tpu.memref_squeeze %dma_start3A_233 : memref<1x1x2048x128xf32, #tpu.memory_space<vmem>> -> memref<1x2048x128xf32, #tpu.memory_space<vmem>>
      %dma_start3A_235 = arith.constant 0 : i32
      %dma_start3A_236 = arith.constant 0 : i32
      %dma_start3A_237 = tpu.memref_slice %arg3[%add3A_226, %dma_start3A_235, %dma_start3A_236] : memref<272x2048x128xf32, #tpu.memory_space<any>> -> memref<1x2048x128xf32, #tpu.memory_space<any>>
      tpu.enqueue_dma source(%dma_start3A_237 : memref<1x2048x128xf32, #tpu.memory_space<any>>) target(%dma_start3A_234 : memref<1x2048x128xf32, #tpu.memory_space<vmem>>) target_semaphore(%dma_start3A_229 : memref<!tpu.dma_semaphore, #tpu.memory_space<semaphore_mem>>)
      %rem3A_238 = arith.constant 0 : i32
      %rem3A_239 = arith.constant 4 : i32
      %rem3A_240 = arith.remsi %rem3A_238, %rem3A_239 : i32
      %mul3A_241 = arith.constant 0 : i32
      %mul3A_242 = arith.constant 8 : i32
      %mul3A_243 = arith.muli %mul3A_241, %mul3A_242 : i32
      %add3A_244 = arith.constant 2 : i32
      %add3A_245 = arith.addi %mul3A_243, %add3A_244 : i32
      %dma_start3A_246 = arith.constant 2 : i32
      %dma_start3A_247 = tpu.memref_slice %arg6[%rem3A_240, %dma_start3A_246] : memref<4x8x!tpu.dma_semaphore, #tpu.memory_space<semaphore_mem>> -> memref<1x1x!tpu.dma_semaphore, #tpu.memory_space<semaphore_mem>>
      %dma_start3A_248 = tpu.memref_squeeze %dma_start3A_247 : memref<1x1x!tpu.dma_semaphore, #tpu.memory_space<semaphore_mem>> -> memref<!tpu.dma_semaphore, #tpu.memory_space<semaphore_mem>>
      %dma_start3A_249 = arith.constant 2 : i32
      %dma_start3A_250 = arith.constant 0 : i32
      %dma_start3A_251 = arith.constant 0 : i32
      %dma_start3A_252 = tpu.memref_slice %arg5[%rem3A_240, %dma_start3A_249, %dma_start3A_250, %dma_start3A_251] : memref<4x8x2048x128xf32, #tpu.memory_space<vmem>> -> memref<1x1x2048x128xf32, #tpu.memory_space<vmem>>
      %dma_start3A_253 = tpu.memref_squeeze %dma_start3A_252 : memref<1x1x2048x128xf32, #tpu.memory_space<vmem>> -> memref<1x2048x128xf32, #tpu.memory_space<vmem>>
      %dma_start3A_254 = arith.constant 0 : i32
      %dma_start3A_255 = arith.constant 0 : i32
      %dma_start3A_256 = tpu.memref_slice %arg3[%add3A_245, %dma_start3A_254, %dma_start3A_255] : memref<272x2048x128xf32, #tpu.memory_space<any>> -> memref<1x2048x128xf32, #tpu.memory_space<any>>
      tpu.enqueue_dma source(%dma_start3A_256 : memref<1x2048x128xf32, #tpu.memory_space<any>>) target(%dma_start3A_253 : memref<1x2048x128xf32, #tpu.memory_space<vmem>>) target_semaphore(%dma_start3A_248 : memref<!tpu.dma_semaphore, #tpu.memory_space<semaphore_mem>>)
      %rem3A_257 = arith.constant 0 : i32
      %rem3A_258 = arith.constant 4 : i32
      %rem3A_259 = arith.remsi %rem3A_257, %rem3A_258 : i32
      %mul3A_260 = arith.constant 0 : i32
      %mul3A_261 = arith.constant 8 : i32
      %mul3A_262 = arith.muli %mul3A_260, %mul3A_261 : i32
      %add3A_263 = arith.constant 3 : i32
      %add3A_264 = arith.addi %mul3A_262, %add3A_263 : i32
      %dma_start3A_265 = arith.constant 3 : i32
      %dma_start3A_266 = tpu.memref_slice %arg6[%rem3A_259, %dma_start3A_265] : memref<4x8x!tpu.dma_semaphore, #tpu.memory_space<semaphore_mem>> -> memref<1x1x!tpu.dma_semaphore, #tpu.memory_space<semaphore_mem>>
      %dma_start3A_267 = tpu.memref_squeeze %dma_start3A_266 : memref<1x1x!tpu.dma_semaphore, #tpu.memory_space<semaphore_mem>> -> memref<!tpu.dma_semaphore, #tpu.memory_space<semaphore_mem>>
      %dma_start3A_268 = arith.constant 3 : i32
      %dma_start3A_269 = arith.constant 0 : i32
      %dma_start3A_270 = arith.constant 0 : i32
      %dma_start3A_271 = tpu.memref_slice %arg5[%rem3A_259, %dma_start3A_268, %dma_start3A_269, %dma_start3A_270] : memref<4x8x2048x128xf32, #tpu.memory_space<vmem>> -> memref<1x1x2048x128xf32, #tpu.memory_space<vmem>>
      %dma_start3A_272 = tpu.memref_squeeze %dma_start3A_271 : memref<1x1x2048x128xf32, #tpu.memory_space<vmem>> -> memref<1x2048x128xf32, #tpu.memory_space<vmem>>
      %dma_start3A_273 = arith.constant 0 : i32
      %dma_start3A_274 = arith.constant 0 : i32
      %dma_start3A_275 = tpu.memref_slice %arg3[%add3A_264, %dma_start3A_273, %dma_start3A_274] : memref<272x2048x128xf32, #tpu.memory_space<any>> -> memref<1x2048x128xf32, #tpu.memory_space<any>>
      tpu.enqueue_dma source(%dma_start3A_275 : memref<1x2048x128xf32, #tpu.memory_space<any>>) target(%dma_start3A_272 : memref<1x2048x128xf32, #tpu.memory_space<vmem>>) target_semaphore(%dma_start3A_267 : memref<!tpu.dma_semaphore, #tpu.memory_space<semaphore_mem>>)
      %rem3A_276 = arith.constant 0 : i32
      %rem3A_277 = arith.constant 4 : i32
      %rem3A_278 = arith.remsi %rem3A_276, %rem3A_277 : i32
      %mul3A_279 = arith.constant 0 : i32
      %mul3A_280 = arith.constant 8 : i32
      %mul3A_281 = arith.muli %mul3A_279, %mul3A_280 : i32
      %add3A_282 = arith.constant 4 : i32
      %add3A_283 = arith.addi %mul3A_281, %add3A_282 : i32
      %dma_start3A_284 = arith.constant 4 : i32
      %dma_start3A_285 = tpu.memref_slice %arg6[%rem3A_278, %dma_start3A_284] : memref<4x8x!tpu.dma_semaphore, #tpu.memory_space<semaphore_mem>> -> memref<1x1x!tpu.dma_semaphore, #tpu.memory_space<semaphore_mem>>
      %dma_start3A_286 = tpu.memref_squeeze %dma_start3A_285 : memref<1x1x!tpu.dma_semaphore, #tpu.memory_space<semaphore_mem>> -> memref<!tpu.dma_semaphore, #tpu.memory_space<semaphore_mem>>
      %dma_start3A_287 = arith.constant 4 : i32
      %dma_start3A_288 = arith.constant 0 : i32
      %dma_start3A_289 = arith.constant 0 : i32
      %dma_start3A_290 = tpu.memref_slice %arg5[%rem3A_278, %dma_start3A_287, %dma_start3A_288, %dma_start3A_289] : memref<4x8x2048x128xf32, #tpu.memory_space<vmem>> -> memref<1x1x2048x128xf32, #tpu.memory_space<vmem>>
      %dma_start3A_291 = tpu.memref_squeeze %dma_start3A_290 : memref<1x1x2048x128xf32, #tpu.memory_space<vmem>> -> memref<1x2048x128xf32, #tpu.memory_space<vmem>>
      %dma_start3A_292 = arith.constant 0 : i32
      %dma_start3A_293 = arith.constant 0 : i32
      %dma_start3A_294 = tpu.memref_slice %arg3[%add3A_283, %dma_start3A_292, %dma_start3A_293] : memref<272x2048x128xf32, #tpu.memory_space<any>> -> memref<1x2048x128xf32, #tpu.memory_space<any>>
      tpu.enqueue_dma source(%dma_start3A_294 : memref<1x2048x128xf32, #tpu.memory_space<any>>) target(%dma_start3A_291 : memref<1x2048x128xf32, #tpu.memory_space<vmem>>) target_semaphore(%dma_start3A_286 : memref<!tpu.dma_semaphore, #tpu.memory_space<semaphore_mem>>)
      %rem3A_295 = arith.constant 0 : i32
      %rem3A_296 = arith.constant 4 : i32
      %rem3A_297 = arith.remsi %rem3A_295, %rem3A_296 : i32
      %mul3A_298 = arith.constant 0 : i32
      %mul3A_299 = arith.constant 8 : i32
      %mul3A_300 = arith.muli %mul3A_298, %mul3A_299 : i32
      %add3A_301 = arith.constant 5 : i32
      %add3A_302 = arith.addi %mul3A_300, %add3A_301 : i32
      %dma_start3A_303 = arith.constant 5 : i32
      %dma_start3A_304 = tpu.memref_slice %arg6[%rem3A_297, %dma_start3A_303] : memref<4x8x!tpu.dma_semaphore, #tpu.memory_space<semaphore_mem>> -> memref<1x1x!tpu.dma_semaphore, #tpu.memory_space<semaphore_mem>>
      %dma_start3A_305 = tpu.memref_squeeze %dma_start3A_304 : memref<1x1x!tpu.dma_semaphore, #tpu.memory_space<semaphore_mem>> -> memref<!tpu.dma_semaphore, #tpu.memory_space<semaphore_mem>>
      %dma_start3A_306 = arith.constant 5 : i32
      %dma_start3A_307 = arith.constant 0 : i32
      %dma_start3A_308 = arith.constant 0 : i32
      %dma_start3A_309 = tpu.memref_slice %arg5[%rem3A_297, %dma_start3A_306, %dma_start3A_307, %dma_start3A_308] : memref<4x8x2048x128xf32, #tpu.memory_space<vmem>> -> memref<1x1x2048x128xf32, #tpu.memory_space<vmem>>
      %dma_start3A_310 = tpu.memref_squeeze %dma_start3A_309 : memref<1x1x2048x128xf32, #tpu.memory_space<vmem>> -> memref<1x2048x128xf32, #tpu.memory_space<vmem>>
      %dma_start3A_311 = arith.constant 0 : i32
      %dma_start3A_312 = arith.constant 0 : i32
      %dma_start3A_313 = tpu.memref_slice %arg3[%add3A_302, %dma_start3A_311, %dma_start3A_312] : memref<272x2048x128xf32, #tpu.memory_space<any>> -> memref<1x2048x128xf32, #tpu.memory_space<any>>
      tpu.enqueue_dma source(%dma_start3A_313 : memref<1x2048x128xf32, #tpu.memory_space<any>>) target(%dma_start3A_310 : memref<1x2048x128xf32, #tpu.memory_space<vmem>>) target_semaphore(%dma_start3A_305 : memref<!tpu.dma_semaphore, #tpu.memory_space<semaphore_mem>>)
      %rem3A_314 = arith.constant 0 : i32
      %rem3A_315 = arith.constant 4 : i32
      %rem3A_316 = arith.remsi %rem3A_314, %rem3A_315 : i32
      %mul3A_317 = arith.constant 0 : i32
      %mul3A_318 = arith.constant 8 : i32
      %mul3A_319 = arith.muli %mul3A_317, %mul3A_318 : i32
      %add3A_320 = arith.constant 6 : i32
      %add3A_321 = arith.addi %mul3A_319, %add3A_320 : i32
      %dma_start3A_322 = arith.constant 6 : i32
      %dma_start3A_323 = tpu.memref_slice %arg6[%rem3A_316, %dma_start3A_322] : memref<4x8x!tpu.dma_semaphore, #tpu.memory_space<semaphore_mem>> -> memref<1x1x!tpu.dma_semaphore, #tpu.memory_space<semaphore_mem>>
      %dma_start3A_324 = tpu.memref_squeeze %dma_start3A_323 : memref<1x1x!tpu.dma_semaphore, #tpu.memory_space<semaphore_mem>> -> memref<!tpu.dma_semaphore, #tpu.memory_space<semaphore_mem>>
      %dma_start3A_325 = arith.constant 6 : i32
      %dma_start3A_326 = arith.constant 0 : i32
      %dma_start3A_327 = arith.constant 0 : i32
      %dma_start3A_328 = tpu.memref_slice %arg5[%rem3A_316, %dma_start3A_325, %dma_start3A_326, %dma_start3A_327] : memref<4x8x2048x128xf32, #tpu.memory_space<vmem>> -> memref<1x1x2048x128xf32, #tpu.memory_space<vmem>>
      %dma_start3A_329 = tpu.memref_squeeze %dma_start3A_328 : memref<1x1x2048x128xf32, #tpu.memory_space<vmem>> -> memref<1x2048x128xf32, #tpu.memory_space<vmem>>
      %dma_start3A_330 = arith.constant 0 : i32
      %dma_start3A_331 = arith.constant 0 : i32
      %dma_start3A_332 = tpu.memref_slice %arg3[%add3A_321, %dma_start3A_330, %dma_start3A_331] : memref<272x2048x128xf32, #tpu.memory_space<any>> -> memref<1x2048x128xf32, #tpu.memory_space<any>>
      tpu.enqueue_dma source(%dma_start3A_332 : memref<1x2048x128xf32, #tpu.memory_space<any>>) target(%dma_start3A_329 : memref<1x2048x128xf32, #tpu.memory_space<vmem>>) target_semaphore(%dma_start3A_324 : memref<!tpu.dma_semaphore, #tpu.memory_space<semaphore_mem>>)
      %rem3A_333 = arith.constant 0 : i32
      %rem3A_334 = arith.constant 4 : i32
      %rem3A_335 = arith.remsi %rem3A_333, %rem3A_334 : i32
      %mul3A_336 = arith.constant 0 : i32
      %mul3A_337 = arith.constant 8 : i32
      %mul3A_338 = arith.muli %mul3A_336, %mul3A_337 : i32
      %add3A_339 = arith.constant 7 : i32
      %add3A_340 = arith.addi %mul3A_338, %add3A_339 : i32
      %dma_start3A_341 = arith.constant 7 : i32
      %dma_start3A_342 = tpu.memref_slice %arg6[%rem3A_335, %dma_start3A_341] : memref<4x8x!tpu.dma_semaphore, #tpu.memory_space<semaphore_mem>> -> memref<1x1x!tpu.dma_semaphore, #tpu.memory_space<semaphore_mem>>
      %dma_start3A_343 = tpu.memref_squeeze %dma_start3A_342 : memref<1x1x!tpu.dma_semaphore, #tpu.memory_space<semaphore_mem>> -> memref<!tpu.dma_semaphore, #tpu.memory_space<semaphore_mem>>
      %dma_start3A_344 = arith.constant 7 : i32
      %dma_start3A_345 = arith.constant 0 : i32
      %dma_start3A_346 = arith.constant 0 : i32
      %dma_start3A_347 = tpu.memref_slice %arg5[%rem3A_335, %dma_start3A_344, %dma_start3A_345, %dma_start3A_346] : memref<4x8x2048x128xf32, #tpu.memory_space<vmem>> -> memref<1x1x2048x128xf32, #tpu.memory_space<vmem>>
      %dma_start3A_348 = tpu.memref_squeeze %dma_start3A_347 : memref<1x1x2048x128xf32, #tpu.memory_space<vmem>> -> memref<1x2048x128xf32, #tpu.memory_space<vmem>>
      %dma_start3A_349 = arith.constant 0 : i32
      %dma_start3A_350 = arith.constant 0 : i32
      %dma_start3A_351 = tpu.memref_slice %arg3[%add3A_340, %dma_start3A_349, %dma_start3A_350] : memref<272x2048x128xf32, #tpu.memory_space<any>> -> memref<1x2048x128xf32, #tpu.memory_space<any>>
      tpu.enqueue_dma source(%dma_start3A_351 : memref<1x2048x128xf32, #tpu.memory_space<any>>) target(%dma_start3A_348 : memref<1x2048x128xf32, #tpu.memory_space<vmem>>) target_semaphore(%dma_start3A_343 : memref<!tpu.dma_semaphore, #tpu.memory_space<semaphore_mem>>)
      %rem3A_352 = arith.constant 1 : i32
      %rem3A_353 = arith.constant 4 : i32
      %rem3A_354 = arith.remsi %rem3A_352, %rem3A_353 : i32
      %mul3A_355 = arith.constant 1 : i32
      %mul3A_356 = arith.constant 8 : i32
      %mul3A_357 = arith.muli %mul3A_355, %mul3A_356 : i32
      %add3A_358 = arith.constant 0 : i32
      %add3A_359 = arith.addi %mul3A_357, %add3A_358 : i32
      %dma_start3A_360 = arith.constant 0 : i32
      %dma_start3A_361 = tpu.memref_slice %arg6[%rem3A_354, %dma_start3A_360] : memref<4x8x!tpu.dma_semaphore, #tpu.memory_space<semaphore_mem>> -> memref<1x1x!tpu.dma_semaphore, #tpu.memory_space<semaphore_mem>>
      %dma_start3A_362 = tpu.memref_squeeze %dma_start3A_361 : memref<1x1x!tpu.dma_semaphore, #tpu.memory_space<semaphore_mem>> -> memref<!tpu.dma_semaphore, #tpu.memory_space<semaphore_mem>>
      %dma_start3A_363 = arith.constant 0 : i32
      %dma_start3A_364 = arith.constant 0 : i32
      %dma_start3A_365 = arith.constant 0 : i32
      %dma_start3A_366 = tpu.memref_slice %arg5[%rem3A_354, %dma_start3A_363, %dma_start3A_364, %dma_start3A_365] : memref<4x8x2048x128xf32, #tpu.memory_space<vmem>> -> memref<1x1x2048x128xf32, #tpu.memory_space<vmem>>
      %dma_start3A_367 = tpu.memref_squeeze %dma_start3A_366 : memref<1x1x2048x128xf32, #tpu.memory_space<vmem>> -> memref<1x2048x128xf32, #tpu.memory_space<vmem>>
      %dma_start3A_368 = arith.constant 0 : i32
      %dma_start3A_369 = arith.constant 0 : i32
      %dma_start3A_370 = tpu.memref_slice %arg3[%add3A_359, %dma_start3A_368, %dma_start3A_369] : memref<272x2048x128xf32, #tpu.memory_space<any>> -> memref<1x2048x128xf32, #tpu.memory_space<any>>
      tpu.enqueue_dma source(%dma_start3A_370 : memref<1x2048x128xf32, #tpu.memory_space<any>>) target(%dma_start3A_367 : memref<1x2048x128xf32, #tpu.memory_space<vmem>>) target_semaphore(%dma_start3A_362 : memref<!tpu.dma_semaphore, #tpu.memory_space<semaphore_mem>>)
      %rem3A_371 = arith.constant 1 : i32
      %rem3A_372 = arith.constant 4 : i32
      %rem3A_373 = arith.remsi %rem3A_371, %rem3A_372 : i32
      %mul3A_374 = arith.constant 1 : i32
      %mul3A_375 = arith.constant 8 : i32
      %mul3A_376 = arith.muli %mul3A_374, %mul3A_375 : i32
      %add3A_377 = arith.constant 1 : i32
      %add3A_378 = arith.addi %mul3A_376, %add3A_377 : i32
      %dma_start3A_379 = arith.constant 1 : i32
      %dma_start3A_380 = tpu.memref_slice %arg6[%rem3A_373, %dma_start3A_379] : memref<4x8x!tpu.dma_semaphore, #tpu.memory_space<semaphore_mem>> -> memref<1x1x!tpu.dma_semaphore, #tpu.memory_space<semaphore_mem>>
      %dma_start3A_381 = tpu.memref_squeeze %dma_start3A_380 : memref<1x1x!tpu.dma_semaphore, #tpu.memory_space<semaphore_mem>> -> memref<!tpu.dma_semaphore, #tpu.memory_space<semaphore_mem>>
      %dma_start3A_382 = arith.constant 1 : i32
      %dma_start3A_383 = arith.constant 0 : i32
      %dma_start3A_384 = arith.constant 0 : i32
      %dma_start3A_385 = tpu.memref_slice %arg5[%rem3A_373, %dma_start3A_382, %dma_start3A_383, %dma_start3A_384] : memref<4x8x2048x128xf32, #tpu.memory_space<vmem>> -> memref<1x1x2048x128xf32, #tpu.memory_space<vmem>>
      %dma_start3A_386 = tpu.memref_squeeze %dma_start3A_385 : memref<1x1x2048x128xf32, #tpu.memory_space<vmem>> -> memref<1x2048x128xf32, #tpu.memory_space<vmem>>
      %dma_start3A_387 = arith.constant 0 : i32
      %dma_start3A_388 = arith.constant 0 : i32
      %dma_start3A_389 = tpu.memref_slice %arg3[%add3A_378, %dma_start3A_387, %dma_start3A_388] : memref<272x2048x128xf32, #tpu.memory_space<any>> -> memref<1x2048x128xf32, #tpu.memory_space<any>>
      tpu.enqueue_dma source(%dma_start3A_389 : memref<1x2048x128xf32, #tpu.memory_space<any>>) target(%dma_start3A_386 : memref<1x2048x128xf32, #tpu.memory_space<vmem>>) target_semaphore(%dma_start3A_381 : memref<!tpu.dma_semaphore, #tpu.memory_space<semaphore_mem>>)
      %rem3A_390 = arith.constant 1 : i32
      %rem3A_391 = arith.constant 4 : i32
      %rem3A_392 = arith.remsi %rem3A_390, %rem3A_391 : i32
      %mul3A_393 = arith.constant 1 : i32
      %mul3A_394 = arith.constant 8 : i32
      %mul3A_395 = arith.muli %mul3A_393, %mul3A_394 : i32
      %add3A_396 = arith.constant 2 : i32
      %add3A_397 = arith.addi %mul3A_395, %add3A_396 : i32
      %dma_start3A_398 = arith.constant 2 : i32
      %dma_start3A_399 = tpu.memref_slice %arg6[%rem3A_392, %dma_start3A_398] : memref<4x8x!tpu.dma_semaphore, #tpu.memory_space<semaphore_mem>> -> memref<1x1x!tpu.dma_semaphore, #tpu.memory_space<semaphore_mem>>
      %dma_start3A_400 = tpu.memref_squeeze %dma_start3A_399 : memref<1x1x!tpu.dma_semaphore, #tpu.memory_space<semaphore_mem>> -> memref<!tpu.dma_semaphore, #tpu.memory_space<semaphore_mem>>
      %dma_start3A_401 = arith.constant 2 : i32
      %dma_start3A_402 = arith.constant 0 : i32
      %dma_start3A_403 = arith.constant 0 : i32
      %dma_start3A_404 = tpu.memref_slice %arg5[%rem3A_392, %dma_start3A_401, %dma_start3A_402, %dma_start3A_403] : memref<4x8x2048x128xf32, #tpu.memory_space<vmem>> -> memref<1x1x2048x128xf32, #tpu.memory_space<vmem>>
      %dma_start3A_405 = tpu.memref_squeeze %dma_start3A_404 : memref<1x1x2048x128xf32, #tpu.memory_space<vmem>> -> memref<1x2048x128xf32, #tpu.memory_space<vmem>>
      %dma_start3A_406 = arith.constant 0 : i32
      %dma_start3A_407 = arith.constant 0 : i32
      %dma_start3A_408 = tpu.memref_slice %arg3[%add3A_397, %dma_start3A_406, %dma_start3A_407] : memref<272x2048x128xf32, #tpu.memory_space<any>> -> memref<1x2048x128xf32, #tpu.memory_space<any>>
      tpu.enqueue_dma source(%dma_start3A_408 : memref<1x2048x128xf32, #tpu.memory_space<any>>) target(%dma_start3A_405 : memref<1x2048x128xf32, #tpu.memory_space<vmem>>) target_semaphore(%dma_start3A_400 : memref<!tpu.dma_semaphore, #tpu.memory_space<semaphore_mem>>)
      %rem3A_409 = arith.constant 1 : i32
      %rem3A_410 = arith.constant 4 : i32
      %rem3A_411 = arith.remsi %rem3A_409, %rem3A_410 : i32
      %mul3A_412 = arith.constant 1 : i32
      %mul3A_413 = arith.constant 8 : i32
      %mul3A_414 = arith.muli %mul3A_412, %mul3A_413 : i32
      %add3A_415 = arith.constant 3 : i32
      %add3A_416 = arith.addi %mul3A_414, %add3A_415 : i32
      %dma_start3A_417 = arith.constant 3 : i32
      %dma_start3A_418 = tpu.memref_slice %arg6[%rem3A_411, %dma_start3A_417] : memref<4x8x!tpu.dma_semaphore, #tpu.memory_space<semaphore_mem>> -> memref<1x1x!tpu.dma_semaphore, #tpu.memory_space<semaphore_mem>>
      %dma_start3A_419 = tpu.memref_squeeze %dma_start3A_418 : memref<1x1x!tpu.dma_semaphore, #tpu.memory_space<semaphore_mem>> -> memref<!tpu.dma_semaphore, #tpu.memory_space<semaphore_mem>>
      %dma_start3A_420 = arith.constant 3 : i32
      %dma_start3A_421 = arith.constant 0 : i32
      %dma_start3A_422 = arith.constant 0 : i32
      %dma_start3A_423 = tpu.memref_slice %arg5[%rem3A_411, %dma_start3A_420, %dma_start3A_421, %dma_start3A_422] : memref<4x8x2048x128xf32, #tpu.memory_space<vmem>> -> memref<1x1x2048x128xf32, #tpu.memory_space<vmem>>
      %dma_start3A_424 = tpu.memref_squeeze %dma_start3A_423 : memref<1x1x2048x128xf32, #tpu.memory_space<vmem>> -> memref<1x2048x128xf32, #tpu.memory_space<vmem>>
      %dma_start3A_425 = arith.constant 0 : i32
      %dma_start3A_426 = arith.constant 0 : i32
      %dma_start3A_427 = tpu.memref_slice %arg3[%add3A_416, %dma_start3A_425, %dma_start3A_426] : memref<272x2048x128xf32, #tpu.memory_space<any>> -> memref<1x2048x128xf32, #tpu.memory_space<any>>
      tpu.enqueue_dma source(%dma_start3A_427 : memref<1x2048x128xf32, #tpu.memory_space<any>>) target(%dma_start3A_424 : memref<1x2048x128xf32, #tpu.memory_space<vmem>>) target_semaphore(%dma_start3A_419 : memref<!tpu.dma_semaphore, #tpu.memory_space<semaphore_mem>>)
      %rem3A_428 = arith.constant 1 : i32
      %rem3A_429 = arith.constant 4 : i32
      %rem3A_430 = arith.remsi %rem3A_428, %rem3A_429 : i32
      %mul3A_431 = arith.constant 1 : i32
      %mul3A_432 = arith.constant 8 : i32
      %mul3A_433 = arith.muli %mul3A_431, %mul3A_432 : i32
      %add3A_434 = arith.constant 4 : i32
      %add3A_435 = arith.addi %mul3A_433, %add3A_434 : i32
      %dma_start3A_436 = arith.constant 4 : i32
      %dma_start3A_437 = tpu.memref_slice %arg6[%rem3A_430, %dma_start3A_436] : memref<4x8x!tpu.dma_semaphore, #tpu.memory_space<semaphore_mem>> -> memref<1x1x!tpu.dma_semaphore, #tpu.memory_space<semaphore_mem>>
      %dma_start3A_438 = tpu.memref_squeeze %dma_start3A_437 : memref<1x1x!tpu.dma_semaphore, #tpu.memory_space<semaphore_mem>> -> memref<!tpu.dma_semaphore, #tpu.memory_space<semaphore_mem>>
      %dma_start3A_439 = arith.constant 4 : i32
      %dma_start3A_440 = arith.constant 0 : i32
      %dma_start3A_441 = arith.constant 0 : i32
      %dma_start3A_442 = tpu.memref_slice %arg5[%rem3A_430, %dma_start3A_439, %dma_start3A_440, %dma_start3A_441] : memref<4x8x2048x128xf32, #tpu.memory_space<vmem>> -> memref<1x1x2048x128xf32, #tpu.memory_space<vmem>>
      %dma_start3A_443 = tpu.memref_squeeze %dma_start3A_442 : memref<1x1x2048x128xf32, #tpu.memory_space<vmem>> -> memref<1x2048x128xf32, #tpu.memory_space<vmem>>
      %dma_start3A_444 = arith.constant 0 : i32
      %dma_start3A_445 = arith.constant 0 : i32
      %dma_start3A_446 = tpu.memref_slice %arg3[%add3A_435, %dma_start3A_444, %dma_start3A_445] : memref<272x2048x128xf32, #tpu.memory_space<any>> -> memref<1x2048x128xf32, #tpu.memory_space<any>>
      tpu.enqueue_dma source(%dma_start3A_446 : memref<1x2048x128xf32, #tpu.memory_space<any>>) target(%dma_start3A_443 : memref<1x2048x128xf32, #tpu.memory_space<vmem>>) target_semaphore(%dma_start3A_438 : memref<!tpu.dma_semaphore, #tpu.memory_space<semaphore_mem>>)
      %rem3A_447 = arith.constant 1 : i32
      %rem3A_448 = arith.constant 4 : i32
      %rem3A_449 = arith.remsi %rem3A_447, %rem3A_448 : i32
      %mul3A_450 = arith.constant 1 : i32
      %mul3A_451 = arith.constant 8 : i32
      %mul3A_452 = arith.muli %mul3A_450, %mul3A_451 : i32
      %add3A_453 = arith.constant 5 : i32
      %add3A_454 = arith.addi %mul3A_452, %add3A_453 : i32
      %dma_start3A_455 = arith.constant 5 : i32
      %dma_start3A_456 = tpu.memref_slice %arg6[%rem3A_449, %dma_start3A_455] : memref<4x8x!tpu.dma_semaphore, #tpu.memory_space<semaphore_mem>> -> memref<1x1x!tpu.dma_semaphore, #tpu.memory_space<semaphore_mem>>
      %dma_start3A_457 = tpu.memref_squeeze %dma_start3A_456 : memref<1x1x!tpu.dma_semaphore, #tpu.memory_space<semaphore_mem>> -> memref<!tpu.dma_semaphore, #tpu.memory_space<semaphore_mem>>
      %dma_start3A_458 = arith.constant 5 : i32
      %dma_start3A_459 = arith.constant 0 : i32
      %dma_start3A_460 = arith.constant 0 : i32
      %dma_start3A_461 = tpu.memref_slice %arg5[%rem3A_449, %dma_start3A_458, %dma_start3A_459, %dma_start3A_460] : memref<4x8x2048x128xf32, #tpu.memory_space<vmem>> -> memref<1x1x2048x128xf32, #tpu.memory_space<vmem>>
      %dma_start3A_462 = tpu.memref_squeeze %dma_start3A_461 : memref<1x1x2048x128xf32, #tpu.memory_space<vmem>> -> memref<1x2048x128xf32, #tpu.memory_space<vmem>>
      %dma_start3A_463 = arith.constant 0 : i32
      %dma_start3A_464 = arith.constant 0 : i32
      %dma_start3A_465 = tpu.memref_slice %arg3[%add3A_454, %dma_start3A_463, %dma_start3A_464] : memref<272x2048x128xf32, #tpu.memory_space<any>> -> memref<1x2048x128xf32, #tpu.memory_space<any>>
      tpu.enqueue_dma source(%dma_start3A_465 : memref<1x2048x128xf32, #tpu.memory_space<any>>) target(%dma_start3A_462 : memref<1x2048x128xf32, #tpu.memory_space<vmem>>) target_semaphore(%dma_start3A_457 : memref<!tpu.dma_semaphore, #tpu.memory_space<semaphore_mem>>)
      %rem3A_466 = arith.constant 1 : i32
      %rem3A_467 = arith.constant 4 : i32
      %rem3A_468 = arith.remsi %rem3A_466, %rem3A_467 : i32
      %mul3A_469 = arith.constant 1 : i32
      %mul3A_470 = arith.constant 8 : i32
      %mul3A_471 = arith.muli %mul3A_469, %mul3A_470 : i32
      %add3A_472 = arith.constant 6 : i32
      %add3A_473 = arith.addi %mul3A_471, %add3A_472 : i32
      %dma_start3A_474 = arith.constant 6 : i32
      %dma_start3A_475 = tpu.memref_slice %arg6[%rem3A_468, %dma_start3A_474] : memref<4x8x!tpu.dma_semaphore, #tpu.memory_space<semaphore_mem>> -> memref<1x1x!tpu.dma_semaphore, #tpu.memory_space<semaphore_mem>>
      %dma_start3A_476 = tpu.memref_squeeze %dma_start3A_475 : memref<1x1x!tpu.dma_semaphore, #tpu.memory_space<semaphore_mem>> -> memref<!tpu.dma_semaphore, #tpu.memory_space<semaphore_mem>>
      %dma_start3A_477 = arith.constant 6 : i32
      %dma_start3A_478 = arith.constant 0 : i32
      %dma_start3A_479 = arith.constant 0 : i32
      %dma_start3A_480 = tpu.memref_slice %arg5[%rem3A_468, %dma_start3A_477, %dma_start3A_478, %dma_start3A_479] : memref<4x8x2048x128xf32, #tpu.memory_space<vmem>> -> memref<1x1x2048x128xf32, #tpu.memory_space<vmem>>
      %dma_start3A_481 = tpu.memref_squeeze %dma_start3A_480 : memref<1x1x2048x128xf32, #tpu.memory_space<vmem>> -> memref<1x2048x128xf32, #tpu.memory_space<vmem>>
      %dma_start3A_482 = arith.constant 0 : i32
      %dma_start3A_483 = arith.constant 0 : i32
      %dma_start3A_484 = tpu.memref_slice %arg3[%add3A_473, %dma_start3A_482, %dma_start3A_483] : memref<272x2048x128xf32, #tpu.memory_space<any>> -> memref<1x2048x128xf32, #tpu.memory_space<any>>
      tpu.enqueue_dma source(%dma_start3A_484 : memref<1x2048x128xf32, #tpu.memory_space<any>>) target(%dma_start3A_481 : memref<1x2048x128xf32, #tpu.memory_space<vmem>>) target_semaphore(%dma_start3A_476 : memref<!tpu.dma_semaphore, #tpu.memory_space<semaphore_mem>>)
      %rem3A_485 = arith.constant 1 : i32
      %rem3A_486 = arith.constant 4 : i32
      %rem3A_487 = arith.remsi %rem3A_485, %rem3A_486 : i32
      %mul3A_488 = arith.constant 1 : i32
      %mul3A_489 = arith.constant 8 : i32
      %mul3A_490 = arith.muli %mul3A_488, %mul3A_489 : i32
      %add3A_491 = arith.constant 7 : i32
      %add3A_492 = arith.addi %mul3A_490, %add3A_491 : i32
      %dma_start3A_493 = arith.constant 7 : i32
      %dma_start3A_494 = tpu.memref_slice %arg6[%rem3A_487, %dma_start3A_493] : memref<4x8x!tpu.dma_semaphore, #tpu.memory_space<semaphore_mem>> -> memref<1x1x!tpu.dma_semaphore, #tpu.memory_space<semaphore_mem>>
      %dma_start3A_495 = tpu.memref_squeeze %dma_start3A_494 : memref<1x1x!tpu.dma_semaphore, #tpu.memory_space<semaphore_mem>> -> memref<!tpu.dma_semaphore, #tpu.memory_space<semaphore_mem>>
      %dma_start3A_496 = arith.constant 7 : i32
      %dma_start3A_497 = arith.constant 0 : i32
      %dma_start3A_498 = arith.constant 0 : i32
      %dma_start3A_499 = tpu.memref_slice %arg5[%rem3A_487, %dma_start3A_496, %dma_start3A_497, %dma_start3A_498] : memref<4x8x2048x128xf32, #tpu.memory_space<vmem>> -> memref<1x1x2048x128xf32, #tpu.memory_space<vmem>>
      %dma_start3A_500 = tpu.memref_squeeze %dma_start3A_499 : memref<1x1x2048x128xf32, #tpu.memory_space<vmem>> -> memref<1x2048x128xf32, #tpu.memory_space<vmem>>
      %dma_start3A_501 = arith.constant 0 : i32
      %dma_start3A_502 = arith.constant 0 : i32
      %dma_start3A_503 = tpu.memref_slice %arg3[%add3A_492, %dma_start3A_501, %dma_start3A_502] : memref<272x2048x128xf32, #tpu.memory_space<any>> -> memref<1x2048x128xf32, #tpu.memory_space<any>>
      tpu.enqueue_dma source(%dma_start3A_503 : memref<1x2048x128xf32, #tpu.memory_space<any>>) target(%dma_start3A_500 : memref<1x2048x128xf32, #tpu.memory_space<vmem>>) target_semaphore(%dma_start3A_495 : memref<!tpu.dma_semaphore, #tpu.memory_space<semaphore_mem>>)
      %rem3A_504 = arith.constant 2 : i32
      %rem3A_505 = arith.constant 4 : i32
      %rem3A_506 = arith.remsi %rem3A_504, %rem3A_505 : i32
      %mul3A_507 = arith.constant 2 : i32
      %mul3A_508 = arith.constant 8 : i32
      %mul3A_509 = arith.muli %mul3A_507, %mul3A_508 : i32
      %add3A_510 = arith.constant 0 : i32
      %add3A_511 = arith.addi %mul3A_509, %add3A_510 : i32
      %dma_start3A_512 = arith.constant 0 : i32
      %dma_start3A_513 = tpu.memref_slice %arg6[%rem3A_506, %dma_start3A_512] : memref<4x8x!tpu.dma_semaphore, #tpu.memory_space<semaphore_mem>> -> memref<1x1x!tpu.dma_semaphore, #tpu.memory_space<semaphore_mem>>
      %dma_start3A_514 = tpu.memref_squeeze %dma_start3A_513 : memref<1x1x!tpu.dma_semaphore, #tpu.memory_space<semaphore_mem>> -> memref<!tpu.dma_semaphore, #tpu.memory_space<semaphore_mem>>
      %dma_start3A_515 = arith.constant 0 : i32
      %dma_start3A_516 = arith.constant 0 : i32
      %dma_start3A_517 = arith.constant 0 : i32
      %dma_start3A_518 = tpu.memref_slice %arg5[%rem3A_506, %dma_start3A_515, %dma_start3A_516, %dma_start3A_517] : memref<4x8x2048x128xf32, #tpu.memory_space<vmem>> -> memref<1x1x2048x128xf32, #tpu.memory_space<vmem>>
      %dma_start3A_519 = tpu.memref_squeeze %dma_start3A_518 : memref<1x1x2048x128xf32, #tpu.memory_space<vmem>> -> memref<1x2048x128xf32, #tpu.memory_space<vmem>>
      %dma_start3A_520 = arith.constant 0 : i32
      %dma_start3A_521 = arith.constant 0 : i32
      %dma_start3A_522 = tpu.memref_slice %arg3[%add3A_511, %dma_start3A_520, %dma_start3A_521] : memref<272x2048x128xf32, #tpu.memory_space<any>> -> memref<1x2048x128xf32, #tpu.memory_space<any>>
      tpu.enqueue_dma source(%dma_start3A_522 : memref<1x2048x128xf32, #tpu.memory_space<any>>) target(%dma_start3A_519 : memref<1x2048x128xf32, #tpu.memory_space<vmem>>) target_semaphore(%dma_start3A_514 : memref<!tpu.dma_semaphore, #tpu.memory_space<semaphore_mem>>)
      %rem3A_523 = arith.constant 2 : i32
      %rem3A_524 = arith.constant 4 : i32
      %rem3A_525 = arith.remsi %rem3A_523, %rem3A_524 : i32
      %mul3A_526 = arith.constant 2 : i32
      %mul3A_527 = arith.constant 8 : i32
      %mul3A_528 = arith.muli %mul3A_526, %mul3A_527 : i32
      %add3A_529 = arith.constant 1 : i32
      %add3A_530 = arith.addi %mul3A_528, %add3A_529 : i32
      %dma_start3A_531 = arith.constant 1 : i32
      %dma_start3A_532 = tpu.memref_slice %arg6[%rem3A_525, %dma_start3A_531] : memref<4x8x!tpu.dma_semaphore, #tpu.memory_space<semaphore_mem>> -> memref<1x1x!tpu.dma_semaphore, #tpu.memory_space<semaphore_mem>>
      %dma_start3A_533 = tpu.memref_squeeze %dma_start3A_532 : memref<1x1x!tpu.dma_semaphore, #tpu.memory_space<semaphore_mem>> -> memref<!tpu.dma_semaphore, #tpu.memory_space<semaphore_mem>>
      %dma_start3A_534 = arith.constant 1 : i32
      %dma_start3A_535 = arith.constant 0 : i32
      %dma_start3A_536 = arith.constant 0 : i32
      %dma_start3A_537 = tpu.memref_slice %arg5[%rem3A_525, %dma_start3A_534, %dma_start3A_535, %dma_start3A_536] : memref<4x8x2048x128xf32, #tpu.memory_space<vmem>> -> memref<1x1x2048x128xf32, #tpu.memory_space<vmem>>
      %dma_start3A_538 = tpu.memref_squeeze %dma_start3A_537 : memref<1x1x2048x128xf32, #tpu.memory_space<vmem>> -> memref<1x2048x128xf32, #tpu.memory_space<vmem>>
      %dma_start3A_539 = arith.constant 0 : i32
      %dma_start3A_540 = arith.constant 0 : i32
      %dma_start3A_541 = tpu.memref_slice %arg3[%add3A_530, %dma_start3A_539, %dma_start3A_540] : memref<272x2048x128xf32, #tpu.memory_space<any>> -> memref<1x2048x128xf32, #tpu.memory_space<any>>
      tpu.enqueue_dma source(%dma_start3A_541 : memref<1x2048x128xf32, #tpu.memory_space<any>>) target(%dma_start3A_538 : memref<1x2048x128xf32, #tpu.memory_space<vmem>>) target_semaphore(%dma_start3A_533 : memref<!tpu.dma_semaphore, #tpu.memory_space<semaphore_mem>>)
      %rem3A_542 = arith.constant 2 : i32
      %rem3A_543 = arith.constant 4 : i32
      %rem3A_544 = arith.remsi %rem3A_542, %rem3A_543 : i32
      %mul3A_545 = arith.constant 2 : i32
      %mul3A_546 = arith.constant 8 : i32
      %mul3A_547 = arith.muli %mul3A_545, %mul3A_546 : i32
      %add3A_548 = arith.constant 2 : i32
      %add3A_549 = arith.addi %mul3A_547, %add3A_548 : i32
      %dma_start3A_550 = arith.constant 2 : i32
      %dma_start3A_551 = tpu.memref_slice %arg6[%rem3A_544, %dma_start3A_550] : memref<4x8x!tpu.dma_semaphore, #tpu.memory_space<semaphore_mem>> -> memref<1x1x!tpu.dma_semaphore, #tpu.memory_space<semaphore_mem>>
      %dma_start3A_552 = tpu.memref_squeeze %dma_start3A_551 : memref<1x1x!tpu.dma_semaphore, #tpu.memory_space<semaphore_mem>> -> memref<!tpu.dma_semaphore, #tpu.memory_space<semaphore_mem>>
      %dma_start3A_553 = arith.constant 2 : i32
      %dma_start3A_554 = arith.constant 0 : i32
      %dma_start3A_555 = arith.constant 0 : i32
      %dma_start3A_556 = tpu.memref_slice %arg5[%rem3A_544, %dma_start3A_553, %dma_start3A_554, %dma_start3A_555] : memref<4x8x2048x128xf32, #tpu.memory_space<vmem>> -> memref<1x1x2048x128xf32, #tpu.memory_space<vmem>>
      %dma_start3A_557 = tpu.memref_squeeze %dma_start3A_556 : memref<1x1x2048x128xf32, #tpu.memory_space<vmem>> -> memref<1x2048x128xf32, #tpu.memory_space<vmem>>
      %dma_start3A_558 = arith.constant 0 : i32
      %dma_start3A_559 = arith.constant 0 : i32
      %dma_start3A_560 = tpu.memref_slice %arg3[%add3A_549, %dma_start3A_558, %dma_start3A_559] : memref<272x2048x128xf32, #tpu.memory_space<any>> -> memref<1x2048x128xf32, #tpu.memory_space<any>>
      tpu.enqueue_dma source(%dma_start3A_560 : memref<1x2048x128xf32, #tpu.memory_space<any>>) target(%dma_start3A_557 : memref<1x2048x128xf32, #tpu.memory_space<vmem>>) target_semaphore(%dma_start3A_552 : memref<!tpu.dma_semaphore, #tpu.memory_space<semaphore_mem>>)
      %rem3A_561 = arith.constant 2 : i32
      %rem3A_562 = arith.constant 4 : i32
      %rem3A_563 = arith.remsi %rem3A_561, %rem3A_562 : i32
      %mul3A_564 = arith.constant 2 : i32
      %mul3A_565 = arith.constant 8 : i32
      %mul3A_566 = arith.muli %mul3A_564, %mul3A_565 : i32
      %add3A_567 = arith.constant 3 : i32
      %add3A_568 = arith.addi %mul3A_566, %add3A_567 : i32
      %dma_start3A_569 = arith.constant 3 : i32
      %dma_start3A_570 = tpu.memref_slice %arg6[%rem3A_563, %dma_start3A_569] : memref<4x8x!tpu.dma_semaphore, #tpu.memory_space<semaphore_mem>> -> memref<1x1x!tpu.dma_semaphore, #tpu.memory_space<semaphore_mem>>
      %dma_start3A_571 = tpu.memref_squeeze %dma_start3A_570 : memref<1x1x!tpu.dma_semaphore, #tpu.memory_space<semaphore_mem>> -> memref<!tpu.dma_semaphore, #tpu.memory_space<semaphore_mem>>
      %dma_start3A_572 = arith.constant 3 : i32
      %dma_start3A_573 = arith.constant 0 : i32
      %dma_start3A_574 = arith.constant 0 : i32
      %dma_start3A_575 = tpu.memref_slice %arg5[%rem3A_563, %dma_start3A_572, %dma_start3A_573, %dma_start3A_574] : memref<4x8x2048x128xf32, #tpu.memory_space<vmem>> -> memref<1x1x2048x128xf32, #tpu.memory_space<vmem>>
      %dma_start3A_576 = tpu.memref_squeeze %dma_start3A_575 : memref<1x1x2048x128xf32, #tpu.memory_space<vmem>> -> memref<1x2048x128xf32, #tpu.memory_space<vmem>>
      %dma_start3A_577 = arith.constant 0 : i32
      %dma_start3A_578 = arith.constant 0 : i32
      %dma_start3A_579 = tpu.memref_slice %arg3[%add3A_568, %dma_start3A_577, %dma_start3A_578] : memref<272x2048x128xf32, #tpu.memory_space<any>> -> memref<1x2048x128xf32, #tpu.memory_space<any>>
      tpu.enqueue_dma source(%dma_start3A_579 : memref<1x2048x128xf32, #tpu.memory_space<any>>) target(%dma_start3A_576 : memref<1x2048x128xf32, #tpu.memory_space<vmem>>) target_semaphore(%dma_start3A_571 : memref<!tpu.dma_semaphore, #tpu.memory_space<semaphore_mem>>)
      %rem3A_580 = arith.constant 2 : i32
      %rem3A_581 = arith.constant 4 : i32
      %rem3A_582 = arith.remsi %rem3A_580, %rem3A_581 : i32
      %mul3A_583 = arith.constant 2 : i32
      %mul3A_584 = arith.constant 8 : i32
      %mul3A_585 = arith.muli %mul3A_583, %mul3A_584 : i32
      %add3A_586 = arith.constant 4 : i32
      %add3A_587 = arith.addi %mul3A_585, %add3A_586 : i32
      %dma_start3A_588 = arith.constant 4 : i32
      %dma_start3A_589 = tpu.memref_slice %arg6[%rem3A_582, %dma_start3A_588] : memref<4x8x!tpu.dma_semaphore, #tpu.memory_space<semaphore_mem>> -> memref<1x1x!tpu.dma_semaphore, #tpu.memory_space<semaphore_mem>>
      %dma_start3A_590 = tpu.memref_squeeze %dma_start3A_589 : memref<1x1x!tpu.dma_semaphore, #tpu.memory_space<semaphore_mem>> -> memref<!tpu.dma_semaphore, #tpu.memory_space<semaphore_mem>>
      %dma_start3A_591 = arith.constant 4 : i32
      %dma_start3A_592 = arith.constant 0 : i32
      %dma_start3A_593 = arith.constant 0 : i32
      %dma_start3A_594 = tpu.memref_slice %arg5[%rem3A_582, %dma_start3A_591, %dma_start3A_592, %dma_start3A_593] : memref<4x8x2048x128xf32, #tpu.memory_space<vmem>> -> memref<1x1x2048x128xf32, #tpu.memory_space<vmem>>
      %dma_start3A_595 = tpu.memref_squeeze %dma_start3A_594 : memref<1x1x2048x128xf32, #tpu.memory_space<vmem>> -> memref<1x2048x128xf32, #tpu.memory_space<vmem>>
      %dma_start3A_596 = arith.constant 0 : i32
      %dma_start3A_597 = arith.constant 0 : i32
      %dma_start3A_598 = tpu.memref_slice %arg3[%add3A_587, %dma_start3A_596, %dma_start3A_597] : memref<272x2048x128xf32, #tpu.memory_space<any>> -> memref<1x2048x128xf32, #tpu.memory_space<any>>
      tpu.enqueue_dma source(%dma_start3A_598 : memref<1x2048x128xf32, #tpu.memory_space<any>>) target(%dma_start3A_595 : memref<1x2048x128xf32, #tpu.memory_space<vmem>>) target_semaphore(%dma_start3A_590 : memref<!tpu.dma_semaphore, #tpu.memory_space<semaphore_mem>>)
      %rem3A_599 = arith.constant 2 : i32
      %rem3A_600 = arith.constant 4 : i32
      %rem3A_601 = arith.remsi %rem3A_599, %rem3A_600 : i32
      %mul3A_602 = arith.constant 2 : i32
      %mul3A_603 = arith.constant 8 : i32
      %mul3A_604 = arith.muli %mul3A_602, %mul3A_603 : i32
      %add3A_605 = arith.constant 5 : i32
      %add3A_606 = arith.addi %mul3A_604, %add3A_605 : i32
      %dma_start3A_607 = arith.constant 5 : i32
      %dma_start3A_608 = tpu.memref_slice %arg6[%rem3A_601, %dma_start3A_607] : memref<4x8x!tpu.dma_semaphore, #tpu.memory_space<semaphore_mem>> -> memref<1x1x!tpu.dma_semaphore, #tpu.memory_space<semaphore_mem>>
      %dma_start3A_609 = tpu.memref_squeeze %dma_start3A_608 : memref<1x1x!tpu.dma_semaphore, #tpu.memory_space<semaphore_mem>> -> memref<!tpu.dma_semaphore, #tpu.memory_space<semaphore_mem>>
      %dma_start3A_610 = arith.constant 5 : i32
      %dma_start3A_611 = arith.constant 0 : i32
      %dma_start3A_612 = arith.constant 0 : i32
      %dma_start3A_613 = tpu.memref_slice %arg5[%rem3A_601, %dma_start3A_610, %dma_start3A_611, %dma_start3A_612] : memref<4x8x2048x128xf32, #tpu.memory_space<vmem>> -> memref<1x1x2048x128xf32, #tpu.memory_space<vmem>>
      %dma_start3A_614 = tpu.memref_squeeze %dma_start3A_613 : memref<1x1x2048x128xf32, #tpu.memory_space<vmem>> -> memref<1x2048x128xf32, #tpu.memory_space<vmem>>
      %dma_start3A_615 = arith.constant 0 : i32
      %dma_start3A_616 = arith.constant 0 : i32
      %dma_start3A_617 = tpu.memref_slice %arg3[%add3A_606, %dma_start3A_615, %dma_start3A_616] : memref<272x2048x128xf32, #tpu.memory_space<any>> -> memref<1x2048x128xf32, #tpu.memory_space<any>>
      tpu.enqueue_dma source(%dma_start3A_617 : memref<1x2048x128xf32, #tpu.memory_space<any>>) target(%dma_start3A_614 : memref<1x2048x128xf32, #tpu.memory_space<vmem>>) target_semaphore(%dma_start3A_609 : memref<!tpu.dma_semaphore, #tpu.memory_space<semaphore_mem>>)
      %rem3A_618 = arith.constant 2 : i32
      %rem3A_619 = arith.constant 4 : i32
      %rem3A_620 = arith.remsi %rem3A_618, %rem3A_619 : i32
      %mul3A_621 = arith.constant 2 : i32
      %mul3A_622 = arith.constant 8 : i32
      %mul3A_623 = arith.muli %mul3A_621, %mul3A_622 : i32
      %add3A_624 = arith.constant 6 : i32
      %add3A_625 = arith.addi %mul3A_623, %add3A_624 : i32
      %dma_start3A_626 = arith.constant 6 : i32
      %dma_start3A_627 = tpu.memref_slice %arg6[%rem3A_620, %dma_start3A_626] : memref<4x8x!tpu.dma_semaphore, #tpu.memory_space<semaphore_mem>> -> memref<1x1x!tpu.dma_semaphore, #tpu.memory_space<semaphore_mem>>
      %dma_start3A_628 = tpu.memref_squeeze %dma_start3A_627 : memref<1x1x!tpu.dma_semaphore, #tpu.memory_space<semaphore_mem>> -> memref<!tpu.dma_semaphore, #tpu.memory_space<semaphore_mem>>
      %dma_start3A_629 = arith.constant 6 : i32
      %dma_start3A_630 = arith.constant 0 : i32
      %dma_start3A_631 = arith.constant 0 : i32
      %dma_start3A_632 = tpu.memref_slice %arg5[%rem3A_620, %dma_start3A_629, %dma_start3A_630, %dma_start3A_631] : memref<4x8x2048x128xf32, #tpu.memory_space<vmem>> -> memref<1x1x2048x128xf32, #tpu.memory_space<vmem>>
      %dma_start3A_633 = tpu.memref_squeeze %dma_start3A_632 : memref<1x1x2048x128xf32, #tpu.memory_space<vmem>> -> memref<1x2048x128xf32, #tpu.memory_space<vmem>>
      %dma_start3A_634 = arith.constant 0 : i32
      %dma_start3A_635 = arith.constant 0 : i32
      %dma_start3A_636 = tpu.memref_slice %arg3[%add3A_625, %dma_start3A_634, %dma_start3A_635] : memref<272x2048x128xf32, #tpu.memory_space<any>> -> memref<1x2048x128xf32, #tpu.memory_space<any>>
      tpu.enqueue_dma source(%dma_start3A_636 : memref<1x2048x128xf32, #tpu.memory_space<any>>) target(%dma_start3A_633 : memref<1x2048x128xf32, #tpu.memory_space<vmem>>) target_semaphore(%dma_start3A_628 : memref<!tpu.dma_semaphore, #tpu.memory_space<semaphore_mem>>)
      %rem3A_637 = arith.constant 2 : i32
      %rem3A_638 = arith.constant 4 : i32
      %rem3A_639 = arith.remsi %rem3A_637, %rem3A_638 : i32
      %mul3A_640 = arith.constant 2 : i32
      %mul3A_641 = arith.constant 8 : i32
      %mul3A_642 = arith.muli %mul3A_640, %mul3A_641 : i32
      %add3A_643 = arith.constant 7 : i32
      %add3A_644 = arith.addi %mul3A_642, %add3A_643 : i32
      %dma_start3A_645 = arith.constant 7 : i32
      %dma_start3A_646 = tpu.memref_slice %arg6[%rem3A_639, %dma_start3A_645] : memref<4x8x!tpu.dma_semaphore, #tpu.memory_space<semaphore_mem>> -> memref<1x1x!tpu.dma_semaphore, #tpu.memory_space<semaphore_mem>>
      %dma_start3A_647 = tpu.memref_squeeze %dma_start3A_646 : memref<1x1x!tpu.dma_semaphore, #tpu.memory_space<semaphore_mem>> -> memref<!tpu.dma_semaphore, #tpu.memory_space<semaphore_mem>>
      %dma_start3A_648 = arith.constant 7 : i32
      %dma_start3A_649 = arith.constant 0 : i32
      %dma_start3A_650 = arith.constant 0 : i32
      %dma_start3A_651 = tpu.memref_slice %arg5[%rem3A_639, %dma_start3A_648, %dma_start3A_649, %dma_start3A_650] : memref<4x8x2048x128xf32, #tpu.memory_space<vmem>> -> memref<1x1x2048x128xf32, #tpu.memory_space<vmem>>
      %dma_start3A_652 = tpu.memref_squeeze %dma_start3A_651 : memref<1x1x2048x128xf32, #tpu.memory_space<vmem>> -> memref<1x2048x128xf32, #tpu.memory_space<vmem>>
      %dma_start3A_653 = arith.constant 0 : i32
      %dma_start3A_654 = arith.constant 0 : i32
      %dma_start3A_655 = tpu.memref_slice %arg3[%add3A_644, %dma_start3A_653, %dma_start3A_654] : memref<272x2048x128xf32, #tpu.memory_space<any>> -> memref<1x2048x128xf32, #tpu.memory_space<any>>
      tpu.enqueue_dma source(%dma_start3A_655 : memref<1x2048x128xf32, #tpu.memory_space<any>>) target(%dma_start3A_652 : memref<1x2048x128xf32, #tpu.memory_space<vmem>>) target_semaphore(%dma_start3A_647 : memref<!tpu.dma_semaphore, #tpu.memory_space<semaphore_mem>>)
      %rem3A_656 = arith.constant 3 : i32
      %rem3A_657 = arith.constant 4 : i32
      %rem3A_658 = arith.remsi %rem3A_656, %rem3A_657 : i32
      %mul3A_659 = arith.constant 3 : i32
      %mul3A_660 = arith.constant 8 : i32
      %mul3A_661 = arith.muli %mul3A_659, %mul3A_660 : i32
      %add3A_662 = arith.constant 0 : i32
      %add3A_663 = arith.addi %mul3A_661, %add3A_662 : i32
      %dma_start3A_664 = arith.constant 0 : i32
      %dma_start3A_665 = tpu.memref_slice %arg6[%rem3A_658, %dma_start3A_664] : memref<4x8x!tpu.dma_semaphore, #tpu.memory_space<semaphore_mem>> -> memref<1x1x!tpu.dma_semaphore, #tpu.memory_space<semaphore_mem>>
      %dma_start3A_666 = tpu.memref_squeeze %dma_start3A_665 : memref<1x1x!tpu.dma_semaphore, #tpu.memory_space<semaphore_mem>> -> memref<!tpu.dma_semaphore, #tpu.memory_space<semaphore_mem>>
      %dma_start3A_667 = arith.constant 0 : i32
      %dma_start3A_668 = arith.constant 0 : i32
      %dma_start3A_669 = arith.constant 0 : i32
      %dma_start3A_670 = tpu.memref_slice %arg5[%rem3A_658, %dma_start3A_667, %dma_start3A_668, %dma_start3A_669] : memref<4x8x2048x128xf32, #tpu.memory_space<vmem>> -> memref<1x1x2048x128xf32, #tpu.memory_space<vmem>>
      %dma_start3A_671 = tpu.memref_squeeze %dma_start3A_670 : memref<1x1x2048x128xf32, #tpu.memory_space<vmem>> -> memref<1x2048x128xf32, #tpu.memory_space<vmem>>
      %dma_start3A_672 = arith.constant 0 : i32
      %dma_start3A_673 = arith.constant 0 : i32
      %dma_start3A_674 = tpu.memref_slice %arg3[%add3A_663, %dma_start3A_672, %dma_start3A_673] : memref<272x2048x128xf32, #tpu.memory_space<any>> -> memref<1x2048x128xf32, #tpu.memory_space<any>>
      tpu.enqueue_dma source(%dma_start3A_674 : memref<1x2048x128xf32, #tpu.memory_space<any>>) target(%dma_start3A_671 : memref<1x2048x128xf32, #tpu.memory_space<vmem>>) target_semaphore(%dma_start3A_666 : memref<!tpu.dma_semaphore, #tpu.memory_space<semaphore_mem>>)
      %rem3A_675 = arith.constant 3 : i32
      %rem3A_676 = arith.constant 4 : i32
      %rem3A_677 = arith.remsi %rem3A_675, %rem3A_676 : i32
      %mul3A_678 = arith.constant 3 : i32
      %mul3A_679 = arith.constant 8 : i32
      %mul3A_680 = arith.muli %mul3A_678, %mul3A_679 : i32
      %add3A_681 = arith.constant 1 : i32
      %add3A_682 = arith.addi %mul3A_680, %add3A_681 : i32
      %dma_start3A_683 = arith.constant 1 : i32
      %dma_start3A_684 = tpu.memref_slice %arg6[%rem3A_677, %dma_start3A_683] : memref<4x8x!tpu.dma_semaphore, #tpu.memory_space<semaphore_mem>> -> memref<1x1x!tpu.dma_semaphore, #tpu.memory_space<semaphore_mem>>
      %dma_start3A_685 = tpu.memref_squeeze %dma_start3A_684 : memref<1x1x!tpu.dma_semaphore, #tpu.memory_space<semaphore_mem>> -> memref<!tpu.dma_semaphore, #tpu.memory_space<semaphore_mem>>
      %dma_start3A_686 = arith.constant 1 : i32
      %dma_start3A_687 = arith.constant 0 : i32
      %dma_start3A_688 = arith.constant 0 : i32
      %dma_start3A_689 = tpu.memref_slice %arg5[%rem3A_677, %dma_start3A_686, %dma_start3A_687, %dma_start3A_688] : memref<4x8x2048x128xf32, #tpu.memory_space<vmem>> -> memref<1x1x2048x128xf32, #tpu.memory_space<vmem>>
      %dma_start3A_690 = tpu.memref_squeeze %dma_start3A_689 : memref<1x1x2048x128xf32, #tpu.memory_space<vmem>> -> memref<1x2048x128xf32, #tpu.memory_space<vmem>>
      %dma_start3A_691 = arith.constant 0 : i32
      %dma_start3A_692 = arith.constant 0 : i32
      %dma_start3A_693 = tpu.memref_slice %arg3[%add3A_682, %dma_start3A_691, %dma_start3A_692] : memref<272x2048x128xf32, #tpu.memory_space<any>> -> memref<1x2048x128xf32, #tpu.memory_space<any>>
      tpu.enqueue_dma source(%dma_start3A_693 : memref<1x2048x128xf32, #tpu.memory_space<any>>) target(%dma_start3A_690 : memref<1x2048x128xf32, #tpu.memory_space<vmem>>) target_semaphore(%dma_start3A_685 : memref<!tpu.dma_semaphore, #tpu.memory_space<semaphore_mem>>)
      %rem3A_694 = arith.constant 3 : i32
      %rem3A_695 = arith.constant 4 : i32
      %rem3A_696 = arith.remsi %rem3A_694, %rem3A_695 : i32
      %mul3A_697 = arith.constant 3 : i32
      %mul3A_698 = arith.constant 8 : i32
      %mul3A_699 = arith.muli %mul3A_697, %mul3A_698 : i32
      %add3A_700 = arith.constant 2 : i32
      %add3A_701 = arith.addi %mul3A_699, %add3A_700 : i32
      %dma_start3A_702 = arith.constant 2 : i32
      %dma_start3A_703 = tpu.memref_slice %arg6[%rem3A_696, %dma_start3A_702] : memref<4x8x!tpu.dma_semaphore, #tpu.memory_space<semaphore_mem>> -> memref<1x1x!tpu.dma_semaphore, #tpu.memory_space<semaphore_mem>>
      %dma_start3A_704 = tpu.memref_squeeze %dma_start3A_703 : memref<1x1x!tpu.dma_semaphore, #tpu.memory_space<semaphore_mem>> -> memref<!tpu.dma_semaphore, #tpu.memory_space<semaphore_mem>>
      %dma_start3A_705 = arith.constant 2 : i32
      %dma_start3A_706 = arith.constant 0 : i32
      %dma_start3A_707 = arith.constant 0 : i32
      %dma_start3A_708 = tpu.memref_slice %arg5[%rem3A_696, %dma_start3A_705, %dma_start3A_706, %dma_start3A_707] : memref<4x8x2048x128xf32, #tpu.memory_space<vmem>> -> memref<1x1x2048x128xf32, #tpu.memory_space<vmem>>
      %dma_start3A_709 = tpu.memref_squeeze %dma_start3A_708 : memref<1x1x2048x128xf32, #tpu.memory_space<vmem>> -> memref<1x2048x128xf32, #tpu.memory_space<vmem>>
      %dma_start3A_710 = arith.constant 0 : i32
      %dma_start3A_711 = arith.constant 0 : i32
      %dma_start3A_712 = tpu.memref_slice %arg3[%add3A_701, %dma_start3A_710, %dma_start3A_711] : memref<272x2048x128xf32, #tpu.memory_space<any>> -> memref<1x2048x128xf32, #tpu.memory_space<any>>
      tpu.enqueue_dma source(%dma_start3A_712 : memref<1x2048x128xf32, #tpu.memory_space<any>>) target(%dma_start3A_709 : memref<1x2048x128xf32, #tpu.memory_space<vmem>>) target_semaphore(%dma_start3A_704 : memref<!tpu.dma_semaphore, #tpu.memory_space<semaphore_mem>>)
      %rem3A_713 = arith.constant 3 : i32
      %rem3A_714 = arith.constant 4 : i32
      %rem3A_715 = arith.remsi %rem3A_713, %rem3A_714 : i32
      %mul3A_716 = arith.constant 3 : i32
      %mul3A_717 = arith.constant 8 : i32
      %mul3A_718 = arith.muli %mul3A_716, %mul3A_717 : i32
      %add3A_719 = arith.constant 3 : i32
      %add3A_720 = arith.addi %mul3A_718, %add3A_719 : i32
      %dma_start3A_721 = arith.constant 3 : i32
      %dma_start3A_722 = tpu.memref_slice %arg6[%rem3A_715, %dma_start3A_721] : memref<4x8x!tpu.dma_semaphore, #tpu.memory_space<semaphore_mem>> -> memref<1x1x!tpu.dma_semaphore, #tpu.memory_space<semaphore_mem>>
      %dma_start3A_723 = tpu.memref_squeeze %dma_start3A_722 : memref<1x1x!tpu.dma_semaphore, #tpu.memory_space<semaphore_mem>> -> memref<!tpu.dma_semaphore, #tpu.memory_space<semaphore_mem>>
      %dma_start3A_724 = arith.constant 3 : i32
      %dma_start3A_725 = arith.constant 0 : i32
      %dma_start3A_726 = arith.constant 0 : i32
      %dma_start3A_727 = tpu.memref_slice %arg5[%rem3A_715, %dma_start3A_724, %dma_start3A_725, %dma_start3A_726] : memref<4x8x2048x128xf32, #tpu.memory_space<vmem>> -> memref<1x1x2048x128xf32, #tpu.memory_space<vmem>>
      %dma_start3A_728 = tpu.memref_squeeze %dma_start3A_727 : memref<1x1x2048x128xf32, #tpu.memory_space<vmem>> -> memref<1x2048x128xf32, #tpu.memory_space<vmem>>
      %dma_start3A_729 = arith.constant 0 : i32
      %dma_start3A_730 = arith.constant 0 : i32
      %dma_start3A_731 = tpu.memref_slice %arg3[%add3A_720, %dma_start3A_729, %dma_start3A_730] : memref<272x2048x128xf32, #tpu.memory_space<any>> -> memref<1x2048x128xf32, #tpu.memory_space<any>>
      tpu.enqueue_dma source(%dma_start3A_731 : memref<1x2048x128xf32, #tpu.memory_space<any>>) target(%dma_start3A_728 : memref<1x2048x128xf32, #tpu.memory_space<vmem>>) target_semaphore(%dma_start3A_723 : memref<!tpu.dma_semaphore, #tpu.memory_space<semaphore_mem>>)
      %rem3A_732 = arith.constant 3 : i32
      %rem3A_733 = arith.constant 4 : i32
      %rem3A_734 = arith.remsi %rem3A_732, %rem3A_733 : i32
      %mul3A_735 = arith.constant 3 : i32
      %mul3A_736 = arith.constant 8 : i32
      %mul3A_737 = arith.muli %mul3A_735, %mul3A_736 : i32
      %add3A_738 = arith.constant 4 : i32
      %add3A_739 = arith.addi %mul3A_737, %add3A_738 : i32
      %dma_start3A_740 = arith.constant 4 : i32
      %dma_start3A_741 = tpu.memref_slice %arg6[%rem3A_734, %dma_start3A_740] : memref<4x8x!tpu.dma_semaphore, #tpu.memory_space<semaphore_mem>> -> memref<1x1x!tpu.dma_semaphore, #tpu.memory_space<semaphore_mem>>
      %dma_start3A_742 = tpu.memref_squeeze %dma_start3A_741 : memref<1x1x!tpu.dma_semaphore, #tpu.memory_space<semaphore_mem>> -> memref<!tpu.dma_semaphore, #tpu.memory_space<semaphore_mem>>
      %dma_start3A_743 = arith.constant 4 : i32
      %dma_start3A_744 = arith.constant 0 : i32
      %dma_start3A_745 = arith.constant 0 : i32
      %dma_start3A_746 = tpu.memref_slice %arg5[%rem3A_734, %dma_start3A_743, %dma_start3A_744, %dma_start3A_745] : memref<4x8x2048x128xf32, #tpu.memory_space<vmem>> -> memref<1x1x2048x128xf32, #tpu.memory_space<vmem>>
      %dma_start3A_747 = tpu.memref_squeeze %dma_start3A_746 : memref<1x1x2048x128xf32, #tpu.memory_space<vmem>> -> memref<1x2048x128xf32, #tpu.memory_space<vmem>>
      %dma_start3A_748 = arith.constant 0 : i32
      %dma_start3A_749 = arith.constant 0 : i32
      %dma_start3A_750 = tpu.memref_slice %arg3[%add3A_739, %dma_start3A_748, %dma_start3A_749] : memref<272x2048x128xf32, #tpu.memory_space<any>> -> memref<1x2048x128xf32, #tpu.memory_space<any>>
      tpu.enqueue_dma source(%dma_start3A_750 : memref<1x2048x128xf32, #tpu.memory_space<any>>) target(%dma_start3A_747 : memref<1x2048x128xf32, #tpu.memory_space<vmem>>) target_semaphore(%dma_start3A_742 : memref<!tpu.dma_semaphore, #tpu.memory_space<semaphore_mem>>)
      %rem3A_751 = arith.constant 3 : i32
      %rem3A_752 = arith.constant 4 : i32
      %rem3A_753 = arith.remsi %rem3A_751, %rem3A_752 : i32
      %mul3A_754 = arith.constant 3 : i32
      %mul3A_755 = arith.constant 8 : i32
      %mul3A_756 = arith.muli %mul3A_754, %mul3A_755 : i32
      %add3A_757 = arith.constant 5 : i32
      %add3A_758 = arith.addi %mul3A_756, %add3A_757 : i32
      %dma_start3A_759 = arith.constant 5 : i32
      %dma_start3A_760 = tpu.memref_slice %arg6[%rem3A_753, %dma_start3A_759] : memref<4x8x!tpu.dma_semaphore, #tpu.memory_space<semaphore_mem>> -> memref<1x1x!tpu.dma_semaphore, #tpu.memory_space<semaphore_mem>>
      %dma_start3A_761 = tpu.memref_squeeze %dma_start3A_760 : memref<1x1x!tpu.dma_semaphore, #tpu.memory_space<semaphore_mem>> -> memref<!tpu.dma_semaphore, #tpu.memory_space<semaphore_mem>>
      %dma_start3A_762 = arith.constant 5 : i32
      %dma_start3A_763 = arith.constant 0 : i32
      %dma_start3A_764 = arith.constant 0 : i32
      %dma_start3A_765 = tpu.memref_slice %arg5[%rem3A_753, %dma_start3A_762, %dma_start3A_763, %dma_start3A_764] : memref<4x8x2048x128xf32, #tpu.memory_space<vmem>> -> memref<1x1x2048x128xf32, #tpu.memory_space<vmem>>
      %dma_start3A_766 = tpu.memref_squeeze %dma_start3A_765 : memref<1x1x2048x128xf32, #tpu.memory_space<vmem>> -> memref<1x2048x128xf32, #tpu.memory_space<vmem>>
      %dma_start3A_767 = arith.constant 0 : i32
      %dma_start3A_768 = arith.constant 0 : i32
      %dma_start3A_769 = tpu.memref_slice %arg3[%add3A_758, %dma_start3A_767, %dma_start3A_768] : memref<272x2048x128xf32, #tpu.memory_space<any>> -> memref<1x2048x128xf32, #tpu.memory_space<any>>
      tpu.enqueue_dma source(%dma_start3A_769 : memref<1x2048x128xf32, #tpu.memory_space<any>>) target(%dma_start3A_766 : memref<1x2048x128xf32, #tpu.memory_space<vmem>>) target_semaphore(%dma_start3A_761 : memref<!tpu.dma_semaphore, #tpu.memory_space<semaphore_mem>>)
      %rem3A_770 = arith.constant 3 : i32
      %rem3A_771 = arith.constant 4 : i32
      %rem3A_772 = arith.remsi %rem3A_770, %rem3A_771 : i32
      %mul3A_773 = arith.constant 3 : i32
      %mul3A_774 = arith.constant 8 : i32
      %mul3A_775 = arith.muli %mul3A_773, %mul3A_774 : i32
      %add3A_776 = arith.constant 6 : i32
      %add3A_777 = arith.addi %mul3A_775, %add3A_776 : i32
      %dma_start3A_778 = arith.constant 6 : i32
      %dma_start3A_779 = tpu.memref_slice %arg6[%rem3A_772, %dma_start3A_778] : memref<4x8x!tpu.dma_semaphore, #tpu.memory_space<semaphore_mem>> -> memref<1x1x!tpu.dma_semaphore, #tpu.memory_space<semaphore_mem>>
      %dma_start3A_780 = tpu.memref_squeeze %dma_start3A_779 : memref<1x1x!tpu.dma_semaphore, #tpu.memory_space<semaphore_mem>> -> memref<!tpu.dma_semaphore, #tpu.memory_space<semaphore_mem>>
      %dma_start3A_781 = arith.constant 6 : i32
      %dma_start3A_782 = arith.constant 0 : i32
      %dma_start3A_783 = arith.constant 0 : i32
      %dma_start3A_784 = tpu.memref_slice %arg5[%rem3A_772, %dma_start3A_781, %dma_start3A_782, %dma_start3A_783] : memref<4x8x2048x128xf32, #tpu.memory_space<vmem>> -> memref<1x1x2048x128xf32, #tpu.memory_space<vmem>>
      %dma_start3A_785 = tpu.memref_squeeze %dma_start3A_784 : memref<1x1x2048x128xf32, #tpu.memory_space<vmem>> -> memref<1x2048x128xf32, #tpu.memory_space<vmem>>
      %dma_start3A_786 = arith.constant 0 : i32
      %dma_start3A_787 = arith.constant 0 : i32
      %dma_start3A_788 = tpu.memref_slice %arg3[%add3A_777, %dma_start3A_786, %dma_start3A_787] : memref<272x2048x128xf32, #tpu.memory_space<any>> -> memref<1x2048x128xf32, #tpu.memory_space<any>>
      tpu.enqueue_dma source(%dma_start3A_788 : memref<1x2048x128xf32, #tpu.memory_space<any>>) target(%dma_start3A_785 : memref<1x2048x128xf32, #tpu.memory_space<vmem>>) target_semaphore(%dma_start3A_780 : memref<!tpu.dma_semaphore, #tpu.memory_space<semaphore_mem>>)
      %rem3A_789 = arith.constant 3 : i32
      %rem3A_790 = arith.constant 4 : i32
      %rem3A_791 = arith.remsi %rem3A_789, %rem3A_790 : i32
      %mul3A_792 = arith.constant 3 : i32
      %mul3A_793 = arith.constant 8 : i32
      %mul3A_794 = arith.muli %mul3A_792, %mul3A_793 : i32
      %add3A_795 = arith.constant 7 : i32
      %add3A_796 = arith.addi %mul3A_794, %add3A_795 : i32
      %dma_start3A_797 = arith.constant 7 : i32
      %dma_start3A_798 = tpu.memref_slice %arg6[%rem3A_791, %dma_start3A_797] : memref<4x8x!tpu.dma_semaphore, #tpu.memory_space<semaphore_mem>> -> memref<1x1x!tpu.dma_semaphore, #tpu.memory_space<semaphore_mem>>
      %dma_start3A_799 = tpu.memref_squeeze %dma_start3A_798 : memref<1x1x!tpu.dma_semaphore, #tpu.memory_space<semaphore_mem>> -> memref<!tpu.dma_semaphore, #tpu.memory_space<semaphore_mem>>
      %dma_start3A_800 = arith.constant 7 : i32
      %dma_start3A_801 = arith.constant 0 : i32
      %dma_start3A_802 = arith.constant 0 : i32
      %dma_start3A_803 = tpu.memref_slice %arg5[%rem3A_791, %dma_start3A_800, %dma_start3A_801, %dma_start3A_802] : memref<4x8x2048x128xf32, #tpu.memory_space<vmem>> -> memref<1x1x2048x128xf32, #tpu.memory_space<vmem>>
      %dma_start3A_804 = tpu.memref_squeeze %dma_start3A_803 : memref<1x1x2048x128xf32, #tpu.memory_space<vmem>> -> memref<1x2048x128xf32, #tpu.memory_space<vmem>>
      %dma_start3A_805 = arith.constant 0 : i32
      %dma_start3A_806 = arith.constant 0 : i32
      %dma_start3A_807 = tpu.memref_slice %arg3[%add3A_796, %dma_start3A_805, %dma_start3A_806] : memref<272x2048x128xf32, #tpu.memory_space<any>> -> memref<1x2048x128xf32, #tpu.memory_space<any>>
      tpu.enqueue_dma source(%dma_start3A_807 : memref<1x2048x128xf32, #tpu.memory_space<any>>) target(%dma_start3A_804 : memref<1x2048x128xf32, #tpu.memory_space<vmem>>) target_semaphore(%dma_start3A_799 : memref<!tpu.dma_semaphore, #tpu.memory_space<semaphore_mem>>)
    } else {
    }
    %rem3A = arith.constant 4 : i32
    %rem3A_2 = arith.remsi %arg0, %rem3A : i32
    %mul3A = arith.constant 8 : i32
    %mul3A_3 = arith.muli %arg0, %mul3A : i32
    %add3A = arith.constant 0 : i32
    %add3A_4 = arith.addi %mul3A_3, %add3A : i32
    %dma_wait3A = arith.constant 0 : i32
    %dma_wait3A_5 = tpu.memref_slice %arg6[%rem3A_2, %dma_wait3A] : memref<4x8x!tpu.dma_semaphore, #tpu.memory_space<semaphore_mem>> -> memref<1x1x!tpu.dma_semaphore, #tpu.memory_space<semaphore_mem>>
    %dma_wait3A_6 = tpu.memref_squeeze %dma_wait3A_5 : memref<1x1x!tpu.dma_semaphore, #tpu.memory_space<semaphore_mem>> -> memref<!tpu.dma_semaphore, #tpu.memory_space<semaphore_mem>>
    %dma_wait3A_7 = arith.constant 0 : i32
    %dma_wait3A_8 = arith.constant 0 : i32
    %dma_wait3A_9 = arith.constant 0 : i32
    %dma_wait3A_10 = tpu.memref_slice %arg5[%rem3A_2, %dma_wait3A_7, %dma_wait3A_8, %dma_wait3A_9] : memref<4x8x2048x128xf32, #tpu.memory_space<vmem>> -> memref<1x1x2048x128xf32, #tpu.memory_space<vmem>>
    %dma_wait3A_11 = tpu.memref_squeeze %dma_wait3A_10 : memref<1x1x2048x128xf32, #tpu.memory_space<vmem>> -> memref<1x2048x128xf32, #tpu.memory_space<vmem>>
    %dma_wait3A_12 = arith.constant 0 : i32
    %dma_wait3A_13 = arith.constant 0 : i32
    %dma_wait3A_14 = tpu.memref_slice %arg3[%add3A_4, %dma_wait3A_12, %dma_wait3A_13] : memref<272x2048x128xf32, #tpu.memory_space<any>> -> memref<1x2048x128xf32, #tpu.memory_space<any>>
    tpu.wait_dma2 semaphore(%dma_wait3A_6 : memref<!tpu.dma_semaphore, #tpu.memory_space<semaphore_mem>>) src(%dma_wait3A_14 : memref<1x2048x128xf32, #tpu.memory_space<any>>) dst(%dma_wait3A_11 : memref<1x2048x128xf32, #tpu.memory_space<vmem>>)
    %rem3A_15 = arith.constant 4 : i32
    %rem3A_16 = arith.remsi %arg0, %rem3A_15 : i32
    %mul3A_17 = arith.constant 8 : i32
    %mul3A_18 = arith.muli %arg0, %mul3A_17 : i32
    %add3A_19 = arith.constant 1 : i32
    %add3A_20 = arith.addi %mul3A_18, %add3A_19 : i32
    %dma_wait3A_21 = arith.constant 1 : i32
    %dma_wait3A_22 = tpu.memref_slice %arg6[%rem3A_16, %dma_wait3A_21] : memref<4x8x!tpu.dma_semaphore, #tpu.memory_space<semaphore_mem>> -> memref<1x1x!tpu.dma_semaphore, #tpu.memory_space<semaphore_mem>>
    %dma_wait3A_23 = tpu.memref_squeeze %dma_wait3A_22 : memref<1x1x!tpu.dma_semaphore, #tpu.memory_space<semaphore_mem>> -> memref<!tpu.dma_semaphore, #tpu.memory_space<semaphore_mem>>
    %dma_wait3A_24 = arith.constant 1 : i32
    %dma_wait3A_25 = arith.constant 0 : i32
    %dma_wait3A_26 = arith.constant 0 : i32
    %dma_wait3A_27 = tpu.memref_slice %arg5[%rem3A_16, %dma_wait3A_24, %dma_wait3A_25, %dma_wait3A_26] : memref<4x8x2048x128xf32, #tpu.memory_space<vmem>> -> memref<1x1x2048x128xf32, #tpu.memory_space<vmem>>
    %dma_wait3A_28 = tpu.memref_squeeze %dma_wait3A_27 : memref<1x1x2048x128xf32, #tpu.memory_space<vmem>> -> memref<1x2048x128xf32, #tpu.memory_space<vmem>>
    %dma_wait3A_29 = arith.constant 0 : i32
    %dma_wait3A_30 = arith.constant 0 : i32
    %dma_wait3A_31 = tpu.memref_slice %arg3[%add3A_20, %dma_wait3A_29, %dma_wait3A_30] : memref<272x2048x128xf32, #tpu.memory_space<any>> -> memref<1x2048x128xf32, #tpu.memory_space<any>>
    tpu.wait_dma2 semaphore(%dma_wait3A_23 : memref<!tpu.dma_semaphore, #tpu.memory_space<semaphore_mem>>) src(%dma_wait3A_31 : memref<1x2048x128xf32, #tpu.memory_space<any>>) dst(%dma_wait3A_28 : memref<1x2048x128xf32, #tpu.memory_space<vmem>>)
    %rem3A_32 = arith.constant 4 : i32
    %rem3A_33 = arith.remsi %arg0, %rem3A_32 : i32
    %mul3A_34 = arith.constant 8 : i32
    %mul3A_35 = arith.muli %arg0, %mul3A_34 : i32
    %add3A_36 = arith.constant 2 : i32
    %add3A_37 = arith.addi %mul3A_35, %add3A_36 : i32
    %dma_wait3A_38 = arith.constant 2 : i32
    %dma_wait3A_39 = tpu.memref_slice %arg6[%rem3A_33, %dma_wait3A_38] : memref<4x8x!tpu.dma_semaphore, #tpu.memory_space<semaphore_mem>> -> memref<1x1x!tpu.dma_semaphore, #tpu.memory_space<semaphore_mem>>
    %dma_wait3A_40 = tpu.memref_squeeze %dma_wait3A_39 : memref<1x1x!tpu.dma_semaphore, #tpu.memory_space<semaphore_mem>> -> memref<!tpu.dma_semaphore, #tpu.memory_space<semaphore_mem>>
    %dma_wait3A_41 = arith.constant 2 : i32
    %dma_wait3A_42 = arith.constant 0 : i32
    %dma_wait3A_43 = arith.constant 0 : i32
    %dma_wait3A_44 = tpu.memref_slice %arg5[%rem3A_33, %dma_wait3A_41, %dma_wait3A_42, %dma_wait3A_43] : memref<4x8x2048x128xf32, #tpu.memory_space<vmem>> -> memref<1x1x2048x128xf32, #tpu.memory_space<vmem>>
    %dma_wait3A_45 = tpu.memref_squeeze %dma_wait3A_44 : memref<1x1x2048x128xf32, #tpu.memory_space<vmem>> -> memref<1x2048x128xf32, #tpu.memory_space<vmem>>
    %dma_wait3A_46 = arith.constant 0 : i32
    %dma_wait3A_47 = arith.constant 0 : i32
    %dma_wait3A_48 = tpu.memref_slice %arg3[%add3A_37, %dma_wait3A_46, %dma_wait3A_47] : memref<272x2048x128xf32, #tpu.memory_space<any>> -> memref<1x2048x128xf32, #tpu.memory_space<any>>
    tpu.wait_dma2 semaphore(%dma_wait3A_40 : memref<!tpu.dma_semaphore, #tpu.memory_space<semaphore_mem>>) src(%dma_wait3A_48 : memref<1x2048x128xf32, #tpu.memory_space<any>>) dst(%dma_wait3A_45 : memref<1x2048x128xf32, #tpu.memory_space<vmem>>)
    %rem3A_49 = arith.constant 4 : i32
    %rem3A_50 = arith.remsi %arg0, %rem3A_49 : i32
    %mul3A_51 = arith.constant 8 : i32
    %mul3A_52 = arith.muli %arg0, %mul3A_51 : i32
    %add3A_53 = arith.constant 3 : i32
    %add3A_54 = arith.addi %mul3A_52, %add3A_53 : i32
    %dma_wait3A_55 = arith.constant 3 : i32
    %dma_wait3A_56 = tpu.memref_slice %arg6[%rem3A_50, %dma_wait3A_55] : memref<4x8x!tpu.dma_semaphore, #tpu.memory_space<semaphore_mem>> -> memref<1x1x!tpu.dma_semaphore, #tpu.memory_space<semaphore_mem>>
    %dma_wait3A_57 = tpu.memref_squeeze %dma_wait3A_56 : memref<1x1x!tpu.dma_semaphore, #tpu.memory_space<semaphore_mem>> -> memref<!tpu.dma_semaphore, #tpu.memory_space<semaphore_mem>>
    %dma_wait3A_58 = arith.constant 3 : i32
    %dma_wait3A_59 = arith.constant 0 : i32
    %dma_wait3A_60 = arith.constant 0 : i32
    %dma_wait3A_61 = tpu.memref_slice %arg5[%rem3A_50, %dma_wait3A_58, %dma_wait3A_59, %dma_wait3A_60] : memref<4x8x2048x128xf32, #tpu.memory_space<vmem>> -> memref<1x1x2048x128xf32, #tpu.memory_space<vmem>>
    %dma_wait3A_62 = tpu.memref_squeeze %dma_wait3A_61 : memref<1x1x2048x128xf32, #tpu.memory_space<vmem>> -> memref<1x2048x128xf32, #tpu.memory_space<vmem>>
    %dma_wait3A_63 = arith.constant 0 : i32
    %dma_wait3A_64 = arith.constant 0 : i32
    %dma_wait3A_65 = tpu.memref_slice %arg3[%add3A_54, %dma_wait3A_63, %dma_wait3A_64] : memref<272x2048x128xf32, #tpu.memory_space<any>> -> memref<1x2048x128xf32, #tpu.memory_space<any>>
    tpu.wait_dma2 semaphore(%dma_wait3A_57 : memref<!tpu.dma_semaphore, #tpu.memory_space<semaphore_mem>>) src(%dma_wait3A_65 : memref<1x2048x128xf32, #tpu.memory_space<any>>) dst(%dma_wait3A_62 : memref<1x2048x128xf32, #tpu.memory_space<vmem>>)
    %rem3A_66 = arith.constant 4 : i32
    %rem3A_67 = arith.remsi %arg0, %rem3A_66 : i32
    %mul3A_68 = arith.constant 8 : i32
    %mul3A_69 = arith.muli %arg0, %mul3A_68 : i32
    %add3A_70 = arith.constant 4 : i32
    %add3A_71 = arith.addi %mul3A_69, %add3A_70 : i32
    %dma_wait3A_72 = arith.constant 4 : i32
    %dma_wait3A_73 = tpu.memref_slice %arg6[%rem3A_67, %dma_wait3A_72] : memref<4x8x!tpu.dma_semaphore, #tpu.memory_space<semaphore_mem>> -> memref<1x1x!tpu.dma_semaphore, #tpu.memory_space<semaphore_mem>>
    %dma_wait3A_74 = tpu.memref_squeeze %dma_wait3A_73 : memref<1x1x!tpu.dma_semaphore, #tpu.memory_space<semaphore_mem>> -> memref<!tpu.dma_semaphore, #tpu.memory_space<semaphore_mem>>
    %dma_wait3A_75 = arith.constant 4 : i32
    %dma_wait3A_76 = arith.constant 0 : i32
    %dma_wait3A_77 = arith.constant 0 : i32
    %dma_wait3A_78 = tpu.memref_slice %arg5[%rem3A_67, %dma_wait3A_75, %dma_wait3A_76, %dma_wait3A_77] : memref<4x8x2048x128xf32, #tpu.memory_space<vmem>> -> memref<1x1x2048x128xf32, #tpu.memory_space<vmem>>
    %dma_wait3A_79 = tpu.memref_squeeze %dma_wait3A_78 : memref<1x1x2048x128xf32, #tpu.memory_space<vmem>> -> memref<1x2048x128xf32, #tpu.memory_space<vmem>>
    %dma_wait3A_80 = arith.constant 0 : i32
    %dma_wait3A_81 = arith.constant 0 : i32
    %dma_wait3A_82 = tpu.memref_slice %arg3[%add3A_71, %dma_wait3A_80, %dma_wait3A_81] : memref<272x2048x128xf32, #tpu.memory_space<any>> -> memref<1x2048x128xf32, #tpu.memory_space<any>>
    tpu.wait_dma2 semaphore(%dma_wait3A_74 : memref<!tpu.dma_semaphore, #tpu.memory_space<semaphore_mem>>) src(%dma_wait3A_82 : memref<1x2048x128xf32, #tpu.memory_space<any>>) dst(%dma_wait3A_79 : memref<1x2048x128xf32, #tpu.memory_space<vmem>>)
    %rem3A_83 = arith.constant 4 : i32
    %rem3A_84 = arith.remsi %arg0, %rem3A_83 : i32
    %mul3A_85 = arith.constant 8 : i32
    %mul3A_86 = arith.muli %arg0, %mul3A_85 : i32
    %add3A_87 = arith.constant 5 : i32
    %add3A_88 = arith.addi %mul3A_86, %add3A_87 : i32
    %dma_wait3A_89 = arith.constant 5 : i32
    %dma_wait3A_90 = tpu.memref_slice %arg6[%rem3A_84, %dma_wait3A_89] : memref<4x8x!tpu.dma_semaphore, #tpu.memory_space<semaphore_mem>> -> memref<1x1x!tpu.dma_semaphore, #tpu.memory_space<semaphore_mem>>
    %dma_wait3A_91 = tpu.memref_squeeze %dma_wait3A_90 : memref<1x1x!tpu.dma_semaphore, #tpu.memory_space<semaphore_mem>> -> memref<!tpu.dma_semaphore, #tpu.memory_space<semaphore_mem>>
    %dma_wait3A_92 = arith.constant 5 : i32
    %dma_wait3A_93 = arith.constant 0 : i32
    %dma_wait3A_94 = arith.constant 0 : i32
    %dma_wait3A_95 = tpu.memref_slice %arg5[%rem3A_84, %dma_wait3A_92, %dma_wait3A_93, %dma_wait3A_94] : memref<4x8x2048x128xf32, #tpu.memory_space<vmem>> -> memref<1x1x2048x128xf32, #tpu.memory_space<vmem>>
    %dma_wait3A_96 = tpu.memref_squeeze %dma_wait3A_95 : memref<1x1x2048x128xf32, #tpu.memory_space<vmem>> -> memref<1x2048x128xf32, #tpu.memory_space<vmem>>
    %dma_wait3A_97 = arith.constant 0 : i32
    %dma_wait3A_98 = arith.constant 0 : i32
    %dma_wait3A_99 = tpu.memref_slice %arg3[%add3A_88, %dma_wait3A_97, %dma_wait3A_98] : memref<272x2048x128xf32, #tpu.memory_space<any>> -> memref<1x2048x128xf32, #tpu.memory_space<any>>
    tpu.wait_dma2 semaphore(%dma_wait3A_91 : memref<!tpu.dma_semaphore, #tpu.memory_space<semaphore_mem>>) src(%dma_wait3A_99 : memref<1x2048x128xf32, #tpu.memory_space<any>>) dst(%dma_wait3A_96 : memref<1x2048x128xf32, #tpu.memory_space<vmem>>)
    %rem3A_100 = arith.constant 4 : i32
    %rem3A_101 = arith.remsi %arg0, %rem3A_100 : i32
    %mul3A_102 = arith.constant 8 : i32
    %mul3A_103 = arith.muli %arg0, %mul3A_102 : i32
    %add3A_104 = arith.constant 6 : i32
    %add3A_105 = arith.addi %mul3A_103, %add3A_104 : i32
    %dma_wait3A_106 = arith.constant 6 : i32
    %dma_wait3A_107 = tpu.memref_slice %arg6[%rem3A_101, %dma_wait3A_106] : memref<4x8x!tpu.dma_semaphore, #tpu.memory_space<semaphore_mem>> -> memref<1x1x!tpu.dma_semaphore, #tpu.memory_space<semaphore_mem>>
    %dma_wait3A_108 = tpu.memref_squeeze %dma_wait3A_107 : memref<1x1x!tpu.dma_semaphore, #tpu.memory_space<semaphore_mem>> -> memref<!tpu.dma_semaphore, #tpu.memory_space<semaphore_mem>>
    %dma_wait3A_109 = arith.constant 6 : i32
    %dma_wait3A_110 = arith.constant 0 : i32
    %dma_wait3A_111 = arith.constant 0 : i32
    %dma_wait3A_112 = tpu.memref_slice %arg5[%rem3A_101, %dma_wait3A_109, %dma_wait3A_110, %dma_wait3A_111] : memref<4x8x2048x128xf32, #tpu.memory_space<vmem>> -> memref<1x1x2048x128xf32, #tpu.memory_space<vmem>>
    %dma_wait3A_113 = tpu.memref_squeeze %dma_wait3A_112 : memref<1x1x2048x128xf32, #tpu.memory_space<vmem>> -> memref<1x2048x128xf32, #tpu.memory_space<vmem>>
    %dma_wait3A_114 = arith.constant 0 : i32
    %dma_wait3A_115 = arith.constant 0 : i32
    %dma_wait3A_116 = tpu.memref_slice %arg3[%add3A_105, %dma_wait3A_114, %dma_wait3A_115] : memref<272x2048x128xf32, #tpu.memory_space<any>> -> memref<1x2048x128xf32, #tpu.memory_space<any>>
    tpu.wait_dma2 semaphore(%dma_wait3A_108 : memref<!tpu.dma_semaphore, #tpu.memory_space<semaphore_mem>>) src(%dma_wait3A_116 : memref<1x2048x128xf32, #tpu.memory_space<any>>) dst(%dma_wait3A_113 : memref<1x2048x128xf32, #tpu.memory_space<vmem>>)
    %rem3A_117 = arith.constant 4 : i32
    %rem3A_118 = arith.remsi %arg0, %rem3A_117 : i32
    %mul3A_119 = arith.constant 8 : i32
    %mul3A_120 = arith.muli %arg0, %mul3A_119 : i32
    %add3A_121 = arith.constant 7 : i32
    %add3A_122 = arith.addi %mul3A_120, %add3A_121 : i32
    %dma_wait3A_123 = arith.constant 7 : i32
    %dma_wait3A_124 = tpu.memref_slice %arg6[%rem3A_118, %dma_wait3A_123] : memref<4x8x!tpu.dma_semaphore, #tpu.memory_space<semaphore_mem>> -> memref<1x1x!tpu.dma_semaphore, #tpu.memory_space<semaphore_mem>>
    %dma_wait3A_125 = tpu.memref_squeeze %dma_wait3A_124 : memref<1x1x!tpu.dma_semaphore, #tpu.memory_space<semaphore_mem>> -> memref<!tpu.dma_semaphore, #tpu.memory_space<semaphore_mem>>
    %dma_wait3A_126 = arith.constant 7 : i32
    %dma_wait3A_127 = arith.constant 0 : i32
    %dma_wait3A_128 = arith.constant 0 : i32
    %dma_wait3A_129 = tpu.memref_slice %arg5[%rem3A_118, %dma_wait3A_126, %dma_wait3A_127, %dma_wait3A_128] : memref<4x8x2048x128xf32, #tpu.memory_space<vmem>> -> memref<1x1x2048x128xf32, #tpu.memory_space<vmem>>
    %dma_wait3A_130 = tpu.memref_squeeze %dma_wait3A_129 : memref<1x1x2048x128xf32, #tpu.memory_space<vmem>> -> memref<1x2048x128xf32, #tpu.memory_space<vmem>>
    %dma_wait3A_131 = arith.constant 0 : i32
    %dma_wait3A_132 = arith.constant 0 : i32
    %dma_wait3A_133 = tpu.memref_slice %arg3[%add3A_122, %dma_wait3A_131, %dma_wait3A_132] : memref<272x2048x128xf32, #tpu.memory_space<any>> -> memref<1x2048x128xf32, #tpu.memory_space<any>>
    tpu.wait_dma2 semaphore(%dma_wait3A_125 : memref<!tpu.dma_semaphore, #tpu.memory_space<semaphore_mem>>) src(%dma_wait3A_133 : memref<1x2048x128xf32, #tpu.memory_space<any>>) dst(%dma_wait3A_130 : memref<1x2048x128xf32, #tpu.memory_space<vmem>>)
    %rem3A_134 = arith.constant 4 : i32
    %rem3A_135 = arith.remsi %arg0, %rem3A_134 : i32
    %get3A = arith.index_cast %rem3A_135 : i32 to index
    %get3A_136 = arith.constant 0 : index
    %get3A_137 = arith.constant 0 : index
    %get3A_138 = arith.constant 0 : index
    %get3A_139 = vector.load %arg5[%get3A, %get3A_136, %get3A_137, %get3A_138] : memref<4x8x2048x128xf32, #tpu.memory_space<vmem>>, vector<1x8x2048x128xf32>
    %get3A_140 = vector.shape_cast %get3A_139 : vector<1x8x2048x128xf32> to vector<8x2048x128xf32>
    %reduce_max3A = arith.constant dense<0xFF800000> : vector<8xf32>
    %reduce_max3A_141 = vector.multi_reduction <maximumf>, %get3A_140, %reduce_max3A [1, 2] : vector<8x2048x128xf32> to vector<8xf32>
    %broadcast_in_dim3A = vector.shape_cast %reduce_max3A_141 : vector<8xf32> to vector<8x1x1xf32>
    %sub3A = vector.broadcast %broadcast_in_dim3A : vector<8x1x1xf32> to vector<8x2048x128xf32>
    %sub3A_142 = arith.subf %get3A_140, %sub3A : vector<8x2048x128xf32>
    %exp3A = math.exp %sub3A_142 : vector<8x2048x128xf32>
    %reduce_sum3A = arith.constant dense<0.000000e+00> : vector<8xf32>
    %reduce_sum3A_143 = vector.multi_reduction <add>, %exp3A, %reduce_sum3A [1, 2] : vector<8x2048x128xf32> to vector<8xf32>
    %log3A = math.log %reduce_sum3A_143 : vector<8xf32>
    %add3A_144 = arith.addf %reduce_max3A_141, %log3A : vector<8xf32>
    %add3A_145 = arith.constant 4 : i32
    %add3A_146 = arith.addi %arg0, %add3A_145 : i32
    %lt3A = arith.constant 34 : i32
    %lt3A_147 = arith.cmpi slt, %add3A_146, %lt3A : i32
    %convert_element_type3A_148 = arith.extui %lt3A_147 : i1 to i32
    %cond3A_149 = arith.constant 0 : i32
    %cond3A_150 = arith.cmpi ne, %convert_element_type3A_148, %cond3A_149 : i32
    scf.if %cond3A_150 {
      %add3A_195 = arith.constant 4 : i32
      %add3A_196 = arith.addi %arg0, %add3A_195 : i32
      %rem3A_197 = arith.constant 4 : i32
      %rem3A_198 = arith.remsi %add3A_196, %rem3A_197 : i32
      %mul3A_199 = arith.constant 8 : i32
      %mul3A_200 = arith.muli %add3A_196, %mul3A_199 : i32
      %add3A_201 = arith.constant 0 : i32
      %add3A_202 = arith.addi %mul3A_200, %add3A_201 : i32
      %dma_start3A = arith.constant 0 : i32
      %dma_start3A_203 = tpu.memref_slice %arg6[%rem3A_198, %dma_start3A] : memref<4x8x!tpu.dma_semaphore, #tpu.memory_space<semaphore_mem>> -> memref<1x1x!tpu.dma_semaphore, #tpu.memory_space<semaphore_mem>>
      %dma_start3A_204 = tpu.memref_squeeze %dma_start3A_203 : memref<1x1x!tpu.dma_semaphore, #tpu.memory_space<semaphore_mem>> -> memref<!tpu.dma_semaphore, #tpu.memory_space<semaphore_mem>>
      %dma_start3A_205 = arith.constant 0 : i32
      %dma_start3A_206 = arith.constant 0 : i32
      %dma_start3A_207 = arith.constant 0 : i32
      %dma_start3A_208 = tpu.memref_slice %arg5[%rem3A_198, %dma_start3A_205, %dma_start3A_206, %dma_start3A_207] : memref<4x8x2048x128xf32, #tpu.memory_space<vmem>> -> memref<1x1x2048x128xf32, #tpu.memory_space<vmem>>
      %dma_start3A_209 = tpu.memref_squeeze %dma_start3A_208 : memref<1x1x2048x128xf32, #tpu.memory_space<vmem>> -> memref<1x2048x128xf32, #tpu.memory_space<vmem>>
      %dma_start3A_210 = arith.constant 0 : i32
      %dma_start3A_211 = arith.constant 0 : i32
      %dma_start3A_212 = tpu.memref_slice %arg3[%add3A_202, %dma_start3A_210, %dma_start3A_211] : memref<272x2048x128xf32, #tpu.memory_space<any>> -> memref<1x2048x128xf32, #tpu.memory_space<any>>
      tpu.enqueue_dma source(%dma_start3A_212 : memref<1x2048x128xf32, #tpu.memory_space<any>>) target(%dma_start3A_209 : memref<1x2048x128xf32, #tpu.memory_space<vmem>>) target_semaphore(%dma_start3A_204 : memref<!tpu.dma_semaphore, #tpu.memory_space<semaphore_mem>>)
      %add3A_213 = arith.constant 4 : i32
      %add3A_214 = arith.addi %arg0, %add3A_213 : i32
      %rem3A_215 = arith.constant 4 : i32
      %rem3A_216 = arith.remsi %add3A_214, %rem3A_215 : i32
      %mul3A_217 = arith.constant 8 : i32
      %mul3A_218 = arith.muli %add3A_214, %mul3A_217 : i32
      %add3A_219 = arith.constant 1 : i32
      %add3A_220 = arith.addi %mul3A_218, %add3A_219 : i32
      %dma_start3A_221 = arith.constant 1 : i32
      %dma_start3A_222 = tpu.memref_slice %arg6[%rem3A_216, %dma_start3A_221] : memref<4x8x!tpu.dma_semaphore, #tpu.memory_space<semaphore_mem>> -> memref<1x1x!tpu.dma_semaphore, #tpu.memory_space<semaphore_mem>>
      %dma_start3A_223 = tpu.memref_squeeze %dma_start3A_222 : memref<1x1x!tpu.dma_semaphore, #tpu.memory_space<semaphore_mem>> -> memref<!tpu.dma_semaphore, #tpu.memory_space<semaphore_mem>>
      %dma_start3A_224 = arith.constant 1 : i32
      %dma_start3A_225 = arith.constant 0 : i32
      %dma_start3A_226 = arith.constant 0 : i32
      %dma_start3A_227 = tpu.memref_slice %arg5[%rem3A_216, %dma_start3A_224, %dma_start3A_225, %dma_start3A_226] : memref<4x8x2048x128xf32, #tpu.memory_space<vmem>> -> memref<1x1x2048x128xf32, #tpu.memory_space<vmem>>
      %dma_start3A_228 = tpu.memref_squeeze %dma_start3A_227 : memref<1x1x2048x128xf32, #tpu.memory_space<vmem>> -> memref<1x2048x128xf32, #tpu.memory_space<vmem>>
      %dma_start3A_229 = arith.constant 0 : i32
      %dma_start3A_230 = arith.constant 0 : i32
      %dma_start3A_231 = tpu.memref_slice %arg3[%add3A_220, %dma_start3A_229, %dma_start3A_230] : memref<272x2048x128xf32, #tpu.memory_space<any>> -> memref<1x2048x128xf32, #tpu.memory_space<any>>
      tpu.enqueue_dma source(%dma_start3A_231 : memref<1x2048x128xf32, #tpu.memory_space<any>>) target(%dma_start3A_228 : memref<1x2048x128xf32, #tpu.memory_space<vmem>>) target_semaphore(%dma_start3A_223 : memref<!tpu.dma_semaphore, #tpu.memory_space<semaphore_mem>>)
      %add3A_232 = arith.constant 4 : i32
      %add3A_233 = arith.addi %arg0, %add3A_232 : i32
      %rem3A_234 = arith.constant 4 : i32
      %rem3A_235 = arith.remsi %add3A_233, %rem3A_234 : i32
      %mul3A_236 = arith.constant 8 : i32
      %mul3A_237 = arith.muli %add3A_233, %mul3A_236 : i32
      %add3A_238 = arith.constant 2 : i32
      %add3A_239 = arith.addi %mul3A_237, %add3A_238 : i32
      %dma_start3A_240 = arith.constant 2 : i32
      %dma_start3A_241 = tpu.memref_slice %arg6[%rem3A_235, %dma_start3A_240] : memref<4x8x!tpu.dma_semaphore, #tpu.memory_space<semaphore_mem>> -> memref<1x1x!tpu.dma_semaphore, #tpu.memory_space<semaphore_mem>>
      %dma_start3A_242 = tpu.memref_squeeze %dma_start3A_241 : memref<1x1x!tpu.dma_semaphore, #tpu.memory_space<semaphore_mem>> -> memref<!tpu.dma_semaphore, #tpu.memory_space<semaphore_mem>>
      %dma_start3A_243 = arith.constant 2 : i32
      %dma_start3A_244 = arith.constant 0 : i32
      %dma_start3A_245 = arith.constant 0 : i32
      %dma_start3A_246 = tpu.memref_slice %arg5[%rem3A_235, %dma_start3A_243, %dma_start3A_244, %dma_start3A_245] : memref<4x8x2048x128xf32, #tpu.memory_space<vmem>> -> memref<1x1x2048x128xf32, #tpu.memory_space<vmem>>
      %dma_start3A_247 = tpu.memref_squeeze %dma_start3A_246 : memref<1x1x2048x128xf32, #tpu.memory_space<vmem>> -> memref<1x2048x128xf32, #tpu.memory_space<vmem>>
      %dma_start3A_248 = arith.constant 0 : i32
      %dma_start3A_249 = arith.constant 0 : i32
      %dma_start3A_250 = tpu.memref_slice %arg3[%add3A_239, %dma_start3A_248, %dma_start3A_249] : memref<272x2048x128xf32, #tpu.memory_space<any>> -> memref<1x2048x128xf32, #tpu.memory_space<any>>
      tpu.enqueue_dma source(%dma_start3A_250 : memref<1x2048x128xf32, #tpu.memory_space<any>>) target(%dma_start3A_247 : memref<1x2048x128xf32, #tpu.memory_space<vmem>>) target_semaphore(%dma_start3A_242 : memref<!tpu.dma_semaphore, #tpu.memory_space<semaphore_mem>>)
      %add3A_251 = arith.constant 4 : i32
      %add3A_252 = arith.addi %arg0, %add3A_251 : i32
      %rem3A_253 = arith.constant 4 : i32
      %rem3A_254 = arith.remsi %add3A_252, %rem3A_253 : i32
      %mul3A_255 = arith.constant 8 : i32
      %mul3A_256 = arith.muli %add3A_252, %mul3A_255 : i32
      %add3A_257 = arith.constant 3 : i32
      %add3A_258 = arith.addi %mul3A_256, %add3A_257 : i32
      %dma_start3A_259 = arith.constant 3 : i32
      %dma_start3A_260 = tpu.memref_slice %arg6[%rem3A_254, %dma_start3A_259] : memref<4x8x!tpu.dma_semaphore, #tpu.memory_space<semaphore_mem>> -> memref<1x1x!tpu.dma_semaphore, #tpu.memory_space<semaphore_mem>>
      %dma_start3A_261 = tpu.memref_squeeze %dma_start3A_260 : memref<1x1x!tpu.dma_semaphore, #tpu.memory_space<semaphore_mem>> -> memref<!tpu.dma_semaphore, #tpu.memory_space<semaphore_mem>>
      %dma_start3A_262 = arith.constant 3 : i32
      %dma_start3A_263 = arith.constant 0 : i32
      %dma_start3A_264 = arith.constant 0 : i32
      %dma_start3A_265 = tpu.memref_slice %arg5[%rem3A_254, %dma_start3A_262, %dma_start3A_263, %dma_start3A_264] : memref<4x8x2048x128xf32, #tpu.memory_space<vmem>> -> memref<1x1x2048x128xf32, #tpu.memory_space<vmem>>
      %dma_start3A_266 = tpu.memref_squeeze %dma_start3A_265 : memref<1x1x2048x128xf32, #tpu.memory_space<vmem>> -> memref<1x2048x128xf32, #tpu.memory_space<vmem>>
      %dma_start3A_267 = arith.constant 0 : i32
      %dma_start3A_268 = arith.constant 0 : i32
      %dma_start3A_269 = tpu.memref_slice %arg3[%add3A_258, %dma_start3A_267, %dma_start3A_268] : memref<272x2048x128xf32, #tpu.memory_space<any>> -> memref<1x2048x128xf32, #tpu.memory_space<any>>
      tpu.enqueue_dma source(%dma_start3A_269 : memref<1x2048x128xf32, #tpu.memory_space<any>>) target(%dma_start3A_266 : memref<1x2048x128xf32, #tpu.memory_space<vmem>>) target_semaphore(%dma_start3A_261 : memref<!tpu.dma_semaphore, #tpu.memory_space<semaphore_mem>>)
      %add3A_270 = arith.constant 4 : i32
      %add3A_271 = arith.addi %arg0, %add3A_270 : i32
      %rem3A_272 = arith.constant 4 : i32
      %rem3A_273 = arith.remsi %add3A_271, %rem3A_272 : i32
      %mul3A_274 = arith.constant 8 : i32
      %mul3A_275 = arith.muli %add3A_271, %mul3A_274 : i32
      %add3A_276 = arith.constant 4 : i32
      %add3A_277 = arith.addi %mul3A_275, %add3A_276 : i32
      %dma_start3A_278 = arith.constant 4 : i32
      %dma_start3A_279 = tpu.memref_slice %arg6[%rem3A_273, %dma_start3A_278] : memref<4x8x!tpu.dma_semaphore, #tpu.memory_space<semaphore_mem>> -> memref<1x1x!tpu.dma_semaphore, #tpu.memory_space<semaphore_mem>>
      %dma_start3A_280 = tpu.memref_squeeze %dma_start3A_279 : memref<1x1x!tpu.dma_semaphore, #tpu.memory_space<semaphore_mem>> -> memref<!tpu.dma_semaphore, #tpu.memory_space<semaphore_mem>>
      %dma_start3A_281 = arith.constant 4 : i32
      %dma_start3A_282 = arith.constant 0 : i32
      %dma_start3A_283 = arith.constant 0 : i32
      %dma_start3A_284 = tpu.memref_slice %arg5[%rem3A_273, %dma_start3A_281, %dma_start3A_282, %dma_start3A_283] : memref<4x8x2048x128xf32, #tpu.memory_space<vmem>> -> memref<1x1x2048x128xf32, #tpu.memory_space<vmem>>
      %dma_start3A_285 = tpu.memref_squeeze %dma_start3A_284 : memref<1x1x2048x128xf32, #tpu.memory_space<vmem>> -> memref<1x2048x128xf32, #tpu.memory_space<vmem>>
      %dma_start3A_286 = arith.constant 0 : i32
      %dma_start3A_287 = arith.constant 0 : i32
      %dma_start3A_288 = tpu.memref_slice %arg3[%add3A_277, %dma_start3A_286, %dma_start3A_287] : memref<272x2048x128xf32, #tpu.memory_space<any>> -> memref<1x2048x128xf32, #tpu.memory_space<any>>
      tpu.enqueue_dma source(%dma_start3A_288 : memref<1x2048x128xf32, #tpu.memory_space<any>>) target(%dma_start3A_285 : memref<1x2048x128xf32, #tpu.memory_space<vmem>>) target_semaphore(%dma_start3A_280 : memref<!tpu.dma_semaphore, #tpu.memory_space<semaphore_mem>>)
      %add3A_289 = arith.constant 4 : i32
      %add3A_290 = arith.addi %arg0, %add3A_289 : i32
      %rem3A_291 = arith.constant 4 : i32
      %rem3A_292 = arith.remsi %add3A_290, %rem3A_291 : i32
      %mul3A_293 = arith.constant 8 : i32
      %mul3A_294 = arith.muli %add3A_290, %mul3A_293 : i32
      %add3A_295 = arith.constant 5 : i32
      %add3A_296 = arith.addi %mul3A_294, %add3A_295 : i32
      %dma_start3A_297 = arith.constant 5 : i32
      %dma_start3A_298 = tpu.memref_slice %arg6[%rem3A_292, %dma_start3A_297] : memref<4x8x!tpu.dma_semaphore, #tpu.memory_space<semaphore_mem>> -> memref<1x1x!tpu.dma_semaphore, #tpu.memory_space<semaphore_mem>>
      %dma_start3A_299 = tpu.memref_squeeze %dma_start3A_298 : memref<1x1x!tpu.dma_semaphore, #tpu.memory_space<semaphore_mem>> -> memref<!tpu.dma_semaphore, #tpu.memory_space<semaphore_mem>>
      %dma_start3A_300 = arith.constant 5 : i32
      %dma_start3A_301 = arith.constant 0 : i32
      %dma_start3A_302 = arith.constant 0 : i32
      %dma_start3A_303 = tpu.memref_slice %arg5[%rem3A_292, %dma_start3A_300, %dma_start3A_301, %dma_start3A_302] : memref<4x8x2048x128xf32, #tpu.memory_space<vmem>> -> memref<1x1x2048x128xf32, #tpu.memory_space<vmem>>
      %dma_start3A_304 = tpu.memref_squeeze %dma_start3A_303 : memref<1x1x2048x128xf32, #tpu.memory_space<vmem>> -> memref<1x2048x128xf32, #tpu.memory_space<vmem>>
      %dma_start3A_305 = arith.constant 0 : i32
      %dma_start3A_306 = arith.constant 0 : i32
      %dma_start3A_307 = tpu.memref_slice %arg3[%add3A_296, %dma_start3A_305, %dma_start3A_306] : memref<272x2048x128xf32, #tpu.memory_space<any>> -> memref<1x2048x128xf32, #tpu.memory_space<any>>
      tpu.enqueue_dma source(%dma_start3A_307 : memref<1x2048x128xf32, #tpu.memory_space<any>>) target(%dma_start3A_304 : memref<1x2048x128xf32, #tpu.memory_space<vmem>>) target_semaphore(%dma_start3A_299 : memref<!tpu.dma_semaphore, #tpu.memory_space<semaphore_mem>>)
      %add3A_308 = arith.constant 4 : i32
      %add3A_309 = arith.addi %arg0, %add3A_308 : i32
      %rem3A_310 = arith.constant 4 : i32
      %rem3A_311 = arith.remsi %add3A_309, %rem3A_310 : i32
      %mul3A_312 = arith.constant 8 : i32
      %mul3A_313 = arith.muli %add3A_309, %mul3A_312 : i32
      %add3A_314 = arith.constant 6 : i32
      %add3A_315 = arith.addi %mul3A_313, %add3A_314 : i32
      %dma_start3A_316 = arith.constant 6 : i32
      %dma_start3A_317 = tpu.memref_slice %arg6[%rem3A_311, %dma_start3A_316] : memref<4x8x!tpu.dma_semaphore, #tpu.memory_space<semaphore_mem>> -> memref<1x1x!tpu.dma_semaphore, #tpu.memory_space<semaphore_mem>>
      %dma_start3A_318 = tpu.memref_squeeze %dma_start3A_317 : memref<1x1x!tpu.dma_semaphore, #tpu.memory_space<semaphore_mem>> -> memref<!tpu.dma_semaphore, #tpu.memory_space<semaphore_mem>>
      %dma_start3A_319 = arith.constant 6 : i32
      %dma_start3A_320 = arith.constant 0 : i32
      %dma_start3A_321 = arith.constant 0 : i32
      %dma_start3A_322 = tpu.memref_slice %arg5[%rem3A_311, %dma_start3A_319, %dma_start3A_320, %dma_start3A_321] : memref<4x8x2048x128xf32, #tpu.memory_space<vmem>> -> memref<1x1x2048x128xf32, #tpu.memory_space<vmem>>
      %dma_start3A_323 = tpu.memref_squeeze %dma_start3A_322 : memref<1x1x2048x128xf32, #tpu.memory_space<vmem>> -> memref<1x2048x128xf32, #tpu.memory_space<vmem>>
      %dma_start3A_324 = arith.constant 0 : i32
      %dma_start3A_325 = arith.constant 0 : i32
      %dma_start3A_326 = tpu.memref_slice %arg3[%add3A_315, %dma_start3A_324, %dma_start3A_325] : memref<272x2048x128xf32, #tpu.memory_space<any>> -> memref<1x2048x128xf32, #tpu.memory_space<any>>
      tpu.enqueue_dma source(%dma_start3A_326 : memref<1x2048x128xf32, #tpu.memory_space<any>>) target(%dma_start3A_323 : memref<1x2048x128xf32, #tpu.memory_space<vmem>>) target_semaphore(%dma_start3A_318 : memref<!tpu.dma_semaphore, #tpu.memory_space<semaphore_mem>>)
      %add3A_327 = arith.constant 4 : i32
      %add3A_328 = arith.addi %arg0, %add3A_327 : i32
      %rem3A_329 = arith.constant 4 : i32
      %rem3A_330 = arith.remsi %add3A_328, %rem3A_329 : i32
      %mul3A_331 = arith.constant 8 : i32
      %mul3A_332 = arith.muli %add3A_328, %mul3A_331 : i32
      %add3A_333 = arith.constant 7 : i32
      %add3A_334 = arith.addi %mul3A_332, %add3A_333 : i32
      %dma_start3A_335 = arith.constant 7 : i32
      %dma_start3A_336 = tpu.memref_slice %arg6[%rem3A_330, %dma_start3A_335] : memref<4x8x!tpu.dma_semaphore, #tpu.memory_space<semaphore_mem>> -> memref<1x1x!tpu.dma_semaphore, #tpu.memory_space<semaphore_mem>>
      %dma_start3A_337 = tpu.memref_squeeze %dma_start3A_336 : memref<1x1x!tpu.dma_semaphore, #tpu.memory_space<semaphore_mem>> -> memref<!tpu.dma_semaphore, #tpu.memory_space<semaphore_mem>>
      %dma_start3A_338 = arith.constant 7 : i32
      %dma_start3A_339 = arith.constant 0 : i32
      %dma_start3A_340 = arith.constant 0 : i32
      %dma_start3A_341 = tpu.memref_slice %arg5[%rem3A_330, %dma_start3A_338, %dma_start3A_339, %dma_start3A_340] : memref<4x8x2048x128xf32, #tpu.memory_space<vmem>> -> memref<1x1x2048x128xf32, #tpu.memory_space<vmem>>
      %dma_start3A_342 = tpu.memref_squeeze %dma_start3A_341 : memref<1x1x2048x128xf32, #tpu.memory_space<vmem>> -> memref<1x2048x128xf32, #tpu.memory_space<vmem>>
      %dma_start3A_343 = arith.constant 0 : i32
      %dma_start3A_344 = arith.constant 0 : i32
      %dma_start3A_345 = tpu.memref_slice %arg3[%add3A_334, %dma_start3A_343, %dma_start3A_344] : memref<272x2048x128xf32, #tpu.memory_space<any>> -> memref<1x2048x128xf32, #tpu.memory_space<any>>
      tpu.enqueue_dma source(%dma_start3A_345 : memref<1x2048x128xf32, #tpu.memory_space<any>>) target(%dma_start3A_342 : memref<1x2048x128xf32, #tpu.memory_space<vmem>>) target_semaphore(%dma_start3A_337 : memref<!tpu.dma_semaphore, #tpu.memory_space<semaphore_mem>>)
    } else {
    }
    %get3A_151 = arith.constant 0 : index
    %get3A_152 = arith.constant 0 : index
    %get3A_153 = arith.constant 0 : index
    %get3A_154 = vector.load %arg2[%get3A_151, %get3A_152, %get3A_153] : memref<1x8x128xf32, #tpu.memory_space<vmem>>, vector<1x8x128xf32>
    %get3A_155 = vector.shape_cast %get3A_154 : vector<1x8x128xf32> to vector<8x128xf32>
    %get3A_156 = arith.constant 0 : index
    %get3A_157 = arith.constant 0 : index
    %get3A_158 = arith.constant 0 : index
    %get3A_159 = vector.load %arg1[%get3A_156, %get3A_157, %get3A_158] : memref<1x1x8xi32, #tpu.memory_space<vmem>>, vector<1x1x8xi32>
    %get3A_160 = vector.shape_cast %get3A_159 : vector<1x1x8xi32> to vector<8xi32>
    %iota3A = tpu.iota {dimensions = array<i32: 1>} : vector<8x128xi32>
    %broadcast_in_dim3A_161 = vector.shape_cast %get3A_160 : vector<8xi32> to vector<8x1xi32>
    %eq3A_162 = vector.broadcast %broadcast_in_dim3A_161 : vector<8x1xi32> to vector<8x128xi32>
    %eq3A_163 = arith.cmpi eq, %iota3A, %eq3A_162 : vector<8x128xi32>
    %jit3A = arith.constant 0.000000e+00 : f32
    %broadcast_in_dim3A_164 = vector.broadcast %jit3A : f32 to vector<8x128xf32>
    %select_n3A = arith.select %eq3A_163, %get3A_155, %broadcast_in_dim3A_164 : vector<8x128xi1>, vector<8x128xf32>
    %reduce_sum3A_165 = arith.constant dense<0.000000e+00> : vector<8xf32>
    %reduce_sum3A_166 = vector.multi_reduction <add>, %select_n3A, %reduce_sum3A_165 [1] : vector<8x128xf32> to vector<8xf32>
    %sub3A_167 = arith.subf %reduce_sum3A_166, %add3A_144 : vector<8xf32>
    %exp3A_168 = math.exp %sub3A_167 : vector<8xf32>
    %add3A_169 = arith.constant 9.99999997E-7 : f32
    %add3A_170 = vector.broadcast %add3A_169 : f32 to vector<8xf32>
    %add3A_171 = arith.addf %exp3A_168, %add3A_170 : vector<8xf32>
    %log3A_172 = math.log %add3A_171 : vector<8xf32>
    %neg3A = arith.constant 0.000000e+00 : f32
    %neg3A_173 = vector.broadcast %neg3A : f32 to vector<8xf32>
    %neg3A_174 = arith.subf %neg3A_173, %log3A_172 : vector<8xf32>
    %reduce_sum3A_175 = vector.shape_cast %neg3A_174 : vector<8xf32> to vector<1x8xf32>
    %reduce_sum3A_176 = arith.constant dense<0.000000e+00> : vector<1xf32>
    %reduce_sum3A_177 = vector.multi_reduction <add>, %reduce_sum3A_175, %reduce_sum3A_176 [1] : vector<1x8xf32> to vector<1xf32>
    %reduce_sum3A_178 = vector.shape_cast %reduce_sum3A_177 : vector<1xf32> to vector<1x1xf32>
    %reduce_sum3A_179 = vector.extract %reduce_sum3A_178[0, 0] : f32 from vector<1x1xf32>
    %lt3A_180 = arith.constant 17 : i32
    %lt3A_181 = arith.cmpi slt, %arg0, %lt3A_180 : i32
    %get3A_182 = arith.constant 0 : index
    %get3A_183 = memref.load %arg4[%get3A_182] : memref<2xf32, #tpu.memory_space<smem>>
    %jit3A_184 = arith.constant 0.000000e+00 : f32
    %select_n3A_185 = arith.select %lt3A_181, %reduce_sum3A_179, %jit3A_184 : f32
    %add3A_186 = arith.addf %get3A_183, %select_n3A_185 : f32
    %swap3A = arith.constant 0 : index
    %swap3A_187 = memref.load %arg4[%swap3A] : memref<2xf32, #tpu.memory_space<smem>>
    memref.store %add3A_186, %arg4[%swap3A] : memref<2xf32, #tpu.memory_space<smem>>
    %get3A_188 = arith.constant 1 : index
    %get3A_189 = memref.load %arg4[%get3A_188] : memref<2xf32, #tpu.memory_space<smem>>
    %jit3A_190 = arith.constant 0.000000e+00 : f32
    %select_n3A_191 = arith.select %lt3A_181, %jit3A_190, %reduce_sum3A_179 : f32
    %add3A_192 = arith.addf %get3A_189, %select_n3A_191 : f32
    %swap3A_193 = arith.constant 1 : index
    %swap3A_194 = memref.load %arg4[%swap3A_193] : memref<2xf32, #tpu.memory_space<smem>>
    memref.store %add3A_192, %arg4[%swap3A_193] : memref<2xf32, #tpu.memory_space<smem>>
    return
  }
  func.func @transform_0(%arg0: i32) -> (i32, i32, i32) {
    %c0_i32 = arith.constant 0 : i32
    %c0_i32_0 = arith.constant 0 : i32
    %c0_i32_1 = arith.constant 0 : i32
    return %arg0, %c0_i32, %c0_i32_0 : i32, i32, i32
  }
  func.func @transform_1(%arg0: i32) -> (i32, i32, i32) {
    %c0_i32 = arith.constant 0 : i32
    %c0_i32_0 = arith.constant 0 : i32
    %c0_i32_1 = arith.constant 0 : i32
    return %arg0, %c0_i32, %c0_i32_0 : i32, i32, i32
  }
  func.func @transform_3(%arg0: i32) -> i32 {
    %c0_i32 = arith.constant 0 : i32
    %c0_i32_0 = arith.constant 0 : i32
    return %c0_i32 : i32
  }
}

</mosaic_0001>

<sc_bundles>
// kernel: kernel.4.cloned.1.call-start
scs
__scs_entry_jumppad:
0x0: {  	(pc) =	sbr.rel $0x88, $3  }
0x1: {  	(tag) =	ssettag $0x0;
	lr =	simm.s32 $0x1  }
0x2: {  	[smem:$0x3F9D] =	sst lr;
	_ =	strace $0xD0000000  }
0x3: {  	_ = 	snop  }
0x4: {  	_ = 	snop  }
0x5: {  	_ = 	snop  }
0x6: {  	_ = 	snop  }
0x7: {  	_ = 	snop  }
__scs_overlays_trampoline_lowered:
0x8: {  	[smem:$0x3FAC] =	sst s0  }
0x9: {  	[smem:$0x3FAD] =	sst s1  }
0xa: {  	[smem:$0x3FAE] =	sst s2  }
0xb: {  	[smem:$0x3FAF] =	sst s3  }
0xc: {  	[smem:$0x3FB0] =	sst s4  }
0xd: {  	[smem:$0x3FB1] =	sst s5  }
0xe: {  	[smem:$0x3FB2] =	sst s6  }
0xf: {  	[smem:$0x3FB3] =	sst s7  }
0x10: {  	[smem:$0x3FB4] =	sst s8  }
0x11: {  	[smem:$0x3FB5] =	sst s9;
	s0 =	simm.s32 @!p0 $0x0  }
0x12: {  	s1 =	sld [smem:$0x3F9B];
	s0 =	simm.s32 @p0 $0x1  }
0x13: {  	[smem:$0x3FB6] =	sst s0;
	s0 =	simm.s32 @!p1 $0x0  }
0x14: {  	s2 =	sld [smem:$0x3F9A];
	s0 =	simm.s32 @p1 $0x1  }
0x15: {  	[smem:$0x3FB7] =	sst s0;
	s0 =	simm.s32 @!p2 $0x0  }
0x16: {  	s3 =	sld [smem:$0x3FDB];
	s0 =	simm.s32 @p2 $0x1  }
0x17: {  	s4 =	simm.s32 $0x1BF5;
	[smem:$0x3FB9] =	sst s0  }
0x18: {  	s0 =	sld [smem:$0x3F9C];
	_ =	swait.ge [sflag:s4], $0x0  }
0x19: {  	s7 =	sld [smem:$0x3F9D]  }
0x1a: {  	s8 =	sadd.s32 $0xFFFFE003, lr  }
0x1b: {  	s9 =	sadd.s32 $0xFFFFFEF7, lr;
	s5 =	simm.s32 $0xFFFFFFFF;
	p2 =	slt.u32 s8, $0xFFFFF086  }
0x1c: {  	p1 =	slt.u32 s9, $0xF7A;
	s5 =	simm.s32 @!p2 $0x0  }
0x1d: {  	s5 =	simm.s32 @p1 $0x1;
	p0 =	seq.s32 s7, s2  }
0x1e: {  	s7 =	smul.u32 @!p0 $0xF7A, s2;
	p2 =	seq.s32 @!p0 s5, $0x0  }
0x1f: {  	s9 =	smul.u32 $0xF7A, s1;
	s8 =	simm.s32 @!p0 $0x1BF5;
	p2 =	por !p2, p0  }
0x20: {  	[sflag:s8] =	ssyncset.s32 @!p0 $0xFFFFF086;
	s6 =	sadd.s32 @!p0 s3, s7;
	s7 =	simm.s32 @!p0 $0x108  }
0x21: {  	s3 =	sadd.s32 s3, s9;
	s6 =	sadd.s32 @!p0 $0x88, s6;
	s7 =	simm.s32 @p2 $0x1082  }
0x22: {  	[simem:s7], [sflag:s8] =	dma.local @!p0 [hbm:s6], $0xF7A  }
0x23: {  	s9 =	sor.u32 $0xD0000000, s2;
	s6 =	simm.s32 $0x108;
	_ =	swait.ge @!p0 [sflag:s8], $0x0  }
0x24: {  	s3 =	sadd.s32 $0x88, s3;
	s6 =	simm.s32 @!p1 $0x1082;
	[sflag:s4] =	ssyncset.s32 $0xFFFFF086  }
0x25: {  	[simem:s6], [sflag:s4] =	dma.local [hbm:s3], $0xF7A  }
0x26: {  	[smem:$0x3F9D] =	sst s1;
	(tag) =	ssettag s2;
	_ =	strace s9  }
0x27: {  	s1 =	sld [smem:$0x3FAD]  }
0x28: {  	s2 =	sld [smem:$0x3FAE]  }
0x29: {  	s4 =	sld [smem:$0x3FB0]  }
0x2a: {  	p0 =	seq.s32 s5, $0x0;
	s5 =	sld [smem:$0x3FB1]  }
0x2b: {  	s6 =	sld [smem:$0x3FB2]  }
0x2c: {  	s7 =	sld [smem:$0x3FB3]  }
0x2d: {  	s3 =	simm.s32 $0x108;
	s8 =	sld [smem:$0x3FB4]  }
0x2e: {  	s3 =	simm.s32 @!p0 $0x1082;
	s9 =	sld [smem:$0x3FB5]  }
0x2f: {  	lr =	sadd.s32 s0, s3;
	s0 =	sld [smem:$0x3FAC]  }
0x30: {  	s3 =	sld [smem:$0x3FAF]  }
0x31: {  	[smem:$0x3FB8] =	sst s10  }
0x32: {  	s10 =	sld [smem:$0x3FB6];
	_ =	sdelay $0x3  }
0x33: {  	p0 =	seq.s32 s10, $0x1;
	s10 =	sld [smem:$0x3FB8];
	_ =	sdelay $0x3  }
0x34: {  	[smem:$0x3FB8] =	sst s10  }
0x35: {  	s10 =	sld [smem:$0x3FB7];
	_ =	sdelay $0x3  }
0x36: {  	p1 =	seq.s32 s10, $0x1;
	s10 =	sld [smem:$0x3FB8];
	_ =	sdelay $0x3  }
0x37: {  	[smem:$0x3FB8] =	sst s10  }
0x38: {  	s10 =	sld [smem:$0x3FB9]  }
0x39: {  	_ = 	snop;
	(pc) =	sbr.ind lr, $3  }
0x3a: {  	_ = 	snop  }
0x3b: {  	_ = 	snop  }
0x3c: {  	p2 =	seq.s32 s10, $0x1;
	s10 =	sld [smem:$0x3FB8]  }
0x3d: {  	_ =	shalt  }
0x3e: {  	_ =	shalt  }
0x3f: {  	_ =	shalt  }
0x40: {  	_ =	shalt  }
0x41: {  	_ =	shalt  }
0x42: {  	_ =	shalt  }
0x43: {  	_ =	shalt  }
0x44: {  	_ =	shalt  }
0x45: {  	_ =	shalt  }
0x46: {  	_ =	shalt  }
0x47: {  	_ =	shalt  }
0x48: {  	_ =	shalt  }
0x49: {  	_ =	shalt  }
0x4a: {  	_ =	shalt  }
0x4b: {  	_ =	shalt  }
0x4c: {  	_ =	shalt  }
0x4d: {  	_ =	shalt  }
0x4e: {  	_ =	shalt  }
0x4f: {  	_ =	shalt  }
0x50: {  	_ =	shalt  }
0x51: {  	_ =	shalt  }
0x52: {  	_ =	shalt  }
0x53: {  	_ =	shalt  }
0x54: {  	_ =	shalt  }
0x55: {  	_ =	shalt  }
0x56: {  	_ =	shalt  }
0x57: {  	_ =	shalt  }
0x58: {  	_ =	shalt  }
0x59: {  	_ =	shalt  }
0x5a: {  	_ =	shalt  }
0x5b: {  	_ =	shalt  }
0x5c: {  	_ =	shalt  }
0x5d: {  	_ =	shalt  }
0x5e: {  	_ =	shalt  }
0x5f: {  	_ =	shalt  }
0x60: {  	_ =	shalt  }
0x61: {  	_ =	shalt  }
0x62: {  	_ =	shalt  }
0x63: {  	_ =	shalt  }
0x64: {  	_ =	shalt  }
0x65: {  	_ =	shalt  }
0x66: {  	_ =	shalt  }
0x67: {  	_ =	shalt  }
0x68: {  	_ =	shalt  }
0x69: {  	_ =	shalt  }
0x6a: {  	_ =	shalt  }
0x6b: {  	_ =	shalt  }
0x6c: {  	_ =	shalt  }
0x6d: {  	_ =	shalt  }
0x6e: {  	_ =	shalt  }
0x6f: {  	_ =	shalt  }
0x70: {  	_ =	shalt  }
0x71: {  	_ =	shalt  }
0x72: {  	_ =	shalt  }
0x73: {  	_ =	shalt  }
0x74: {  	_ =	shalt  }
0x75: {  	_ =	shalt  }
0x76: {  	_ =	shalt  }
0x77: {  	_ =	shalt  }
0x78: {  	_ =	shalt  }
0x79: {  	_ =	shalt  }
0x7a: {  	_ =	shalt  }
0x7b: {  	_ =	shalt  }
0x7c: {  	_ =	shalt  }
0x7d: {  	_ =	shalt  }
0x7e: {  	_ =	shalt  }
0x7f: {  	_ =	shalt  }
0x80: {  	_ =	shalt  }
0x81: {  	_ =	shalt  }
0x82: {  	_ =	shalt  }
0x83: {  	_ =	shalt  }
0x84: {  	_ =	shalt  }
0x85: {  	_ =	shalt  }
0x86: {  	_ =	shalt  }
0x87: {  	_ =	shalt  }
.Lfunc_end0:
.L_simem_size_0:
called_computation_lowered:
.L_overlay_start_0:
0x88: {  	s2 =	sld [smem:$0x3FD9]  }
0x89: {  	s3 =	sld [smem:$0x3FFE];
	_ =	sdelay $0x1  }
0x8a: {  	s1 =	srdreg.scid  }
0x8b: {  	s0 =	sand.u32 $0x1, s1  }
0x8c: {  	s16 =	sshll.u32 s0, $0xA;
	s2 =	sadd.s32 s3, s2  }
0x8d: {  	s2 =	sadd.s32 s2, s16  }
0x8e: {  	[smem:$0x3FC4] =	sst s2  }
0x8f: {  	_ = 	snop  }
0x90: {  	(tm) =	ssettm $0x1  }
0x91: {  	s17 =	sld [smem:$0x3FFB];
	_ =	sdelay $0x3  }
0x92: {  	_ =	strace s17  }
0x93: {  	s2 =	sld [smem:$0x3FFC];
	_ =	sdelay $0x3  }
0x94: {  	_ =	strace s2  }
0x95: {  	s2 =	sld [smem:$0x3FFD];
	_ =	sdelay $0x3  }
0x96: {  	_ =	strace s2  }
0x97: {  	_ =	strace $0x8FFFFFFF  }
0x98: {  	s18 =	sld [smem:$0x3FDB];
	_ =	sdelay $0x1  }
0x99: {  	s19 =	simm.s32 $_scs_section_size  }
0x9a: {  	s4 =	simm.s32 $_size__tile_overlayer_lowered;
	s5 =	simm.s32 $_tile_overlayer_lowered  }
0x9b: {  	s22 =	simm.s32 $0x1BFF;
	s21 =	sshll.u32 s5, $0x1;
	s2 =	sadd.s32 s19, s18  }
0x9c: {  	s6 =	simm.s32 $0x0;
	s20 =	sshll.u32 s4, $0x1;
	s4 =	sadd.s32 s21, s2  }
0x9d: {  	[timem:s6], [sflag:s22] =	dma.local [hbm:s4], s20  }
0x9e: {  	_ =	swait.ge [sflag:s22], s20  }
0x9f: {  	s3 =	ssub.s32 $0x0, s20;
	[sflag:s22] =	ssyncset.done $0x0  }
0xa0: {  	[sflag:s22] =	ssyncadd.s32 s3;
	_ =	sdelay $0x1  }
0xa1: {  	s23 =	simm.s32 $0x1B8B  }
0xa2: {  	_ =	swait.ge [sflag:s23], $0x1  }
0xa3: {  	[sflag:s23] =	ssyncset.done $0x0  }
0xa4: {  	s25 =	simm.s32 $0x1B8E;
	s24 =	sld [smem:$0x3FFE];
	[sflag:s23] =	ssyncadd.s32 $0xFFFFFFFF  }
0xa5: {  	s26 =	simm.s32 $execute0_lowered;
	[smem:$0x3FD2] =	sst s25  }
0xa6: {  	s4 =	sshll.u32 s26, $0x1;
	_ =	strace $0x80000046;
	[dreg:$0x1] =	wrdreg $0xFFFFFFFF  }
0xa7: {  	s28 =	simm.s32 $_size_execute0_lowered;
	s2 =	sadd.s32 s2, s4;
	[dreg:$0x0] =	wrdreg $0x0  }
0xa8: {  	s4 =	sshll.u32 s28, $0x1;
	[dreg:$0x2] =	wrdreg s2  }
0xa9: {  	[dreg:$0x3] =	wrdreg s4  }
0xaa: {  	[dreg:$0x4] =	wrdreg $0xC0  }
0xab: {  	_ =	task [dreg:s6], $0x5FFFF  }
0xac: {  	[dreg:$0x1] =	wrdreg $0xFFFFFFFF  }
0xad: {  	[dreg:$0x0] =	wrdreg $0x60  }
0xae: {  	[dreg:$0x2] =	wrdreg s24  }
0xaf: {  	[dreg:$0x3] =	wrdreg $0x9  }
0xb0: {  	_ =	task.clear_ibuf [dreg:s6], $0x4FFFF;
	_ =	strace $0x90000046  }
0xb1: {  	s29 =	simm.s32 $0x9;
	_ =	strace $0x80000048  }
0xb2: {  	_ =	swait.ge [sflag:s29], $0x1  }
0xb3: {  	[sflag:s29] =	ssyncadd.s32 $0xFFFFFFFF  }
0xb4: {  	_ =	strace $0x90000048  }
0xb5: {  	_ =	sfence  }
0xb6: {  	s30 =	sld [smem:$0x0];
	_ =	sdelay $0x2  }
0xb7: {  	s31 =	sshll.u32 s1, $0xD;
	s1 =	sshrl.u32 s1, $0x2  }
0xb8: {  	s3 =	sand.u32 $0x4000, s31;
	s1 =	sadd.s32 s1, s30  }
0xb9: {  	s0 =	sor.u32 s3, s0;
	s1 =	sshll.u32 s1, $0x11  }
0xba: {  	s0 =	sor.u32 s1, s0  }
0xbb: {  	s0 =	sadd.s32 $0x8F2B, s0  }
0xbc: {  	[sflag:s0] =	ssyncadd.remote.s32 $0x1  }
0xbd: {  	_ =	sfence.sel $0xFFFF  }
0xbe: {  	[dreg:$0x0] =	wrdreg $0xFFFFFFFF;
	(pc) =	sbr.abs _section_cstart, $3  }
0xbf: {  	[dreg:$0x1] =	wrdreg $0xFFFFFFFF  }
0xc0: {  	_ =	task.clear_ibuf [dreg:s6], $0x2FFFF;
	_ =	strace $0x9FFFFFFF  }
0xc1: {  	(tm) =	ssettm $0x7FFFFFFF  }
tec
execute0_lowered:
.L_overlay_start_1:
0x0: {  	(tag) =	ssettag $0x1  }
0x1: {  	s1 =	srdreg.scid  }
0x2: {  	s0 =	stileid.u32;
	s9 =	rddreg [dreg:$0x0];
	s6 =	sand.u32 $0x1, s1  }
0x3: {  	s7 =	simm.s32 $0x80;
	s30 =	sshll.u32 s0, $0x5;
	s2 =	sshll.u32 s6, $0x4  }
0x4: {  	s8 =	simm.s32 $0x1;
	s1 =	rddreg [dreg:$0x1];
	s10 =	sor.u32 s2, s30  }
0x5: {  	s5 =	sadd.s32 $0x1400, s9;
	s2 =	simm.s32 $0x0;
	s3 =	sshrl.u32 s10, $0x3  }
0x6: {  	s11 =	ssub.s32 $0x2, s6;
	[smem:$0x7FF] =	sst s2;
	s3 =	sadd.s32 s3, s9  }
0x7: {  	_ =	strace $0x80000047;
	s4 =	sadd.s32 $0x1200, s3;
	s3 =	simm.s32 $0x2  }
0x8: {  	[tilespmem:s2], [sflag:$0x2] =	stream.linear.gather [hbm4b:s4+s2], $0x10, $0x38;
	[tilespmem:$0x880] =	vst v63  }
0x9: {  	s6 =	simm.s32 $0x10;
	s12 =	sshrl.u32 s11, $0x1;
	_ =	swait.ge [sflag:s3], $0x10  }
0xa: {  	s10 =	sshll.u32 s10, $0x4;
	s31 =	ssub.s32 s11, s12;
	[sflag:s3] =	ssyncset.done $0x0  }
0xb: {  	s9 =	sadd.s32 s10, s9;
	s10 =	smax.u32 s31, $0x1;
	[sflag:s3] =	ssyncadd.s32 $0xFFFFFFF0  }
0xc: {  	[tilespmem:s7], [sflag:$0x1] =	stream.indirect.gather [hbm4b:s5+s6], $0x80, s2, s6, $0xb8;
	[tilespmem:$0x880] =	vst v63  }
0xd: {  	p0 =	sne.s32 s10, $0x1;
	_ =	swait.ge [sflag:s8], $0x800  }
.Ltmp0:
0xe: {  	[sflag:s8] =	ssyncset.done $0x0;
	(pc) =	sbr.rel @!p0 .LBB2_2-.Ltmp0, $4  }
0xf: {  	s9 =	sadd.s32 $0x881400, s9;
	[sflag:s8] =	ssyncadd.s32 $0xFFFFF800  }
0x10: {  	[hbm4b:s9+s2] =	stream.linear.scatter [tilespmem:s7], [sflag:$0x2], $0x800, $0x38;
	[tilespmem:$0x880] =	vst v63  }
0x11: {  	_ =	swait.ge [sflag:s3], $0x800  }
0x12: {  	s10 =	sadd.s32 $0xFFFFFFFF, s10;
	[sflag:s3] =	ssyncset.done $0x0  }
.LBB2_1:
0x13: {  	p0 =	sne.s32 s10, $0x1;
	s10 =	sadd.s32 $0xFFFFFFFF, s10;
	[sflag:s3] =	ssyncadd.s32 $0xFFFFF800  }
0x14: {  	[tilespmem:s2], [sflag:$0x2] =	stream.linear.gather [hbm4b:s4+s2], $0x10, $0x38;
	[tilespmem:$0x880] =	vst v63  }
0x15: {  	_ =	swait.ge [sflag:s3], $0x10  }
0x16: {  	[sflag:s3] =	ssyncset.done $0x0  }
0x17: {  	[sflag:s3] =	ssyncadd.s32 $0xFFFFFFF0  }
0x18: {  	[tilespmem:s7], [sflag:$0x1] =	stream.indirect.gather [hbm4b:s5+s6], $0x80, s2, s6, $0xb8;
	[tilespmem:$0x880] =	vst v63  }
0x19: {  	_ =	swait.ge [sflag:s8], $0x800  }
.Ltmp1:
0x1a: {  	[sflag:s8] =	ssyncset.done $0x0;
	(pc) =	sbr.rel @p0 .LBB2_1-.Ltmp1, $4  }
0x1b: {  	[sflag:s8] =	ssyncadd.s32 $0xFFFFF800  }
0x1c: {  	[hbm4b:s9+s2] =	stream.linear.scatter [tilespmem:s7], [sflag:$0x2], $0x800, $0x38;
	[tilespmem:$0x880] =	vst v63  }
0x1d: {  	_ =	swait.ge [sflag:s3], $0x800  }
0x1e: {  	[sflag:s3] =	ssyncset.done $0x0  }
.LBB2_2:
0x1f: {  	[sflag:s3] =	ssyncadd.s32 $0xFFFFF800  }
0x20: {  	_ =	sfence.sel $0x180000  }
0x21: {  	[bflag:$0x0] =	sbarrier.arrive $0xFFFF  }
0x22: {  	p0 =	sne.s32 s0, $0x0;
	_ =	strace $0x90000047  }
0x23: {  	s0 =	sadd.s32 @!p0 $0x100000, s1;
	[bflag:$0x2] =	sbarrier.arrive $0xFFFF  }
0x24: {  	[sflag:s0] =	ssyncadd.tile.s32 @!p0 $0x1;
	_ =	shalt  }
.Lfunc_end2:
_tile_overlayer_lowered:
.L_overlay_start_2:
0x25: {  	(tag) =	ssettag $0x2  }
0x26: {  	s0 =	rddreg [dreg:$0x0];
	s2 =	stileid.u32  }
0x27: {  	s1 =	rddreg [dreg:$0x1];
	p0 =	sne.s32 s2, $0x0  }
0x28: {  	s3 =	rddreg [dreg:$0x2];
	[bflag:$0x3] =	sbarrier.arrive $0xFFFF;
	s2 =	simm.s32 @!p0 $0x1C02  }
0x29: {  	[timem:s3], [sflag:s2] =	dma.local @!p0 [hbm:s0], s1  }
0x2a: {  	s0 =	simm.s32 @!p0 $0x2  }
0x2b: {  	_ =	swait.ge @!p0 [sflag:s0], s1  }
0x2c: {  	s1 =	ssub.s32 @!p0 $0x0, s1;
	[sflag:s0] =	ssyncset.done @!p0 $0x0  }
0x2d: {  	[sflag:s0] =	ssyncadd.s32 @!p0 s1  }
0x2e: {  	[bflag:$0x3] =	sbarrier.arrive $0xFFFF  }
0x2f: {  	_ =	shalt  }

</sc_bundles>
